<compile_context>
chip_gen: v7x
topology: tpu7x:2x2x1
jax: 0.10.2.dev20260603
libtpu: 0.0.44.dev20260713+nightly
codegen_flags: <defaults>
</compile_context>

<pallas_src>
import dataclasses

import jax
import jax.numpy as jnp
from jax import lax
from jax.experimental import pallas as pl
from jax.experimental.pallas import tpu as pltpu
from jax.experimental.pallas import tpu_sc as plsc

N_BINS = 64
SCALE = 64.0 / 1.000001

NC = 2
NS = 16
NW = NC * NS
LANES = 16

ROWS = 16384
COLS = 1024
ROWS_PER_W = ROWS // NW
CHUNK_ROWS = 16
CHUNK = CHUNK_ROWS * COLS
NCHUNK = ROWS_PER_W // CHUNK_ROWS
UNROLL = 8


def _sc_hist_body(yp_hbm, yt_hbm, o_hbm, pbuf, tbuf, acc_s, acc_c, out_s, out_c, sems):
    c = lax.axis_index("core")
    s = lax.axis_index("subcore")
    wid = s * NC + c
    base_row = wid * ROWS_PER_W

    zeros = jnp.zeros((LANES,), jnp.float32)
    for i in range(LANES * N_BINS // LANES):
        acc_s[pl.ds(i * LANES, LANES)] = zeros
        acc_c[pl.ds(i * LANES, LANES)] = zeros

    ones = jnp.ones((LANES,), jnp.float32)
    lane_off = lax.iota(jnp.int32, LANES) * N_BINS

    def dma_in(slot, ci):
        r0 = base_row + ci * CHUNK_ROWS
        return (
            pltpu.make_async_copy(
                yp_hbm.at[pl.ds(r0, CHUNK_ROWS)], pbuf.at[slot], sems.at[slot]
            ),
            pltpu.make_async_copy(
                yt_hbm.at[pl.ds(r0, CHUNK_ROWS)], tbuf.at[slot], sems.at[slot]
            ),
        )

    d0 = dma_in(0, 0)
    d0[0].start()
    d0[1].start()

    @pl.loop(0, NCHUNK, step=2)
    def _(ci):
        for k in range(2):
            cur = ci + k

            @pl.when(cur + 1 < NCHUNK)
            def _():
                dn = dma_in((k + 1) & 1, cur + 1)
                dn[0].start()
                dn[1].start()

            dc = dma_in(k, cur)
            dc[0].wait()
            dc[1].wait()

            @plsc.parallel_loop(0, CHUNK, step=LANES, unroll=UNROLL)
            def _(i):
                r = lax.shift_right_logical(i, 10)
                col = lax.bitwise_and(i, COLS - 1)
                sl = pl.ds(col, LANES)
                p = pbuf[k, r, sl]
                t = tbuf[k, r, sl]
                d = p - t
                m2 = d * d
                m4 = m2 * m2
                bits = lax.bitcast_convert_type(t + 1.0, jnp.int32)
                b6 = lax.bitwise_and(lax.shift_right_logical(bits, 17), N_BINS - 1)
                b = b6 + lane_off
                plsc.addupdate_scatter(acc_s, [b], m4)
                plsc.addupdate_scatter(acc_c, [b], ones)

    for chunk in range(N_BINS // LANES):
        sl0 = pl.ds(chunk * LANES, LANES)
        tot_s = acc_s[sl0]
        tot_c = acc_c[sl0]
        for r in range(1, LANES):
            slr = pl.ds(r * N_BINS + chunk * LANES, LANES)
            tot_s = tot_s + acc_s[slr]
            tot_c = tot_c + acc_c[slr]
        out_s[sl0] = tot_s
        out_c[sl0] = tot_c
    pltpu.sync_copy(out_s, o_hbm.at[wid, 0])
    pltpu.sync_copy(out_c, o_hbm.at[wid, 1])


def _sc_hist(yp, yt):
    mesh = plsc.VectorSubcoreMesh(core_axis_name="core", subcore_axis_name="subcore")
    cp = pltpu.CompilerParams()
    if "needs_layout_passes" in pltpu.CompilerParams.__dataclass_fields__:
        cp = dataclasses.replace(cp, needs_layout_passes=False)
    return pl.kernel(
        _sc_hist_body,
        out_type=jax.ShapeDtypeStruct((NW, 2, N_BINS), jnp.float32),
        mesh=mesh,
        scratch_types=[
            pltpu.VMEM((2, CHUNK_ROWS, COLS), jnp.float32),
            pltpu.VMEM((2, CHUNK_ROWS, COLS), jnp.float32),
            pltpu.VMEM((LANES * N_BINS,), jnp.float32),
            pltpu.VMEM((LANES * N_BINS,), jnp.float32),
            pltpu.VMEM((N_BINS,), jnp.float32),
            pltpu.VMEM((N_BINS,), jnp.float32),
            pltpu.SemaphoreType.DMA((2,)),
        ],
        compiler_params=cp,
    )(yp, yt)


def _combine_body(p_ref, o_ref):
    p = p_ref[...]
    sums = jnp.sum(p[:, 0, :], axis=0)
    cnts = jnp.sum(p[:, 1, :], axis=0)
    w = jnp.where(cnts > 0, 1.0 / (cnts + 1e-6), 0.0)
    total = jnp.sum(sums * w)
    nonempty = jnp.sum((cnts > 0).astype(jnp.float32))
    loss = jnp.where(nonempty == 0, jnp.float32(0.0), total / nonempty)
    o_ref[...] = jnp.broadcast_to(loss, (1, 1))


def _combine(partials):
    return pl.pallas_call(
        _combine_body,
        out_shape=jax.ShapeDtypeStruct((1, 1), jnp.float32),
    )(partials)


@jax.jit
def kernel(y_pred, y_true):
    partials = _sc_hist(y_pred, y_true)
    return _combine(partials)[0, 0]

# --- scband reference (transcript-rebuilt; emitter-appended) ---
"""Pipeline reference for scband-binned-mseloss-1786706395409 (READ-ONLY COPY).

The authoritative reference and input builder live on the scoring server;
editing this copy changes nothing except your own understanding.
"""

import jax, jax.numpy as jnp
import numpy as np

Y_MIN = 0.0
Y_MAX = 1.0
N_BINS = 64
GAMMA = 1.0


def setup_inputs(seed: int = 0) -> dict:
    key = jax.random.key(seed)
    k1, k2 = jax.random.split(key)
    y_pred = jax.random.uniform(k1, (16384, 1024), dtype=jnp.float32)
    y_true = jax.random.uniform(k2, (16384, 1024), dtype=jnp.float32)
    return {"y_pred": y_pred, "y_true": y_true}


def reference(y_pred, y_true):
    bin_edges = jnp.linspace(Y_MIN, Y_MAX + 1e-06, N_BINS + 1, dtype=jnp.float32)
    # torch.bucketize(x, boundaries, right=False) == searchsorted side='left'
    yt_flat = y_true.flatten()
    bin_indices = jnp.searchsorted(bin_edges, yt_flat, side='left') - 1
    bin_indices = jnp.clip(bin_indices, 0, N_BINS - 1)
    bin_counts = jnp.bincount(bin_indices, length=N_BINS)
    weights_per_bin = 1.0 / (bin_counts.astype(jnp.float32) + 1e-06)
    weights_per_bin = jnp.where(bin_counts == 0, 0.0, weights_per_bin)
    bin_weights = weights_per_bin[bin_indices]
    per_sample_mse = ((y_pred - y_true) ** 2).flatten()
    focal_weights = jax.lax.stop_gradient(per_sample_mse) ** GAMMA
    combined_weights = bin_weights * focal_weights
    weighted_loss = per_sample_mse * combined_weights
    num_non_empty_bins = (bin_counts > 0).sum()
    loss = jnp.where(num_non_empty_bins == 0,
                     jnp.float32(0.0),
                     weighted_loss.sum() / num_non_empty_bins.astype(jnp.float32))
    return loss

if __name__ == "__main__":
    import jax
    _d = setup_inputs()
    print(jax.jit(kernel)(*tuple(_d.values())))

</pallas_src>

<mosaic_0001>
#map = affine_map<(d0, d1) -> (0, 0)>
#map1 = affine_map<(d0, d1) -> (0, 0, 0)>
module attributes {stable_mosaic.version = 14 : i64} {
  func.func @_sc_hist_body(%arg0: i32, %arg1: i32, %arg2: memref<16384x1024xf32, #tpu.memory_space<hbm>>, %arg3: memref<16384x1024xf32, #tpu.memory_space<hbm>>, %arg4: memref<32x2x64xf32, #tpu.memory_space<hbm>>, %arg5: memref<2x16x1024xf32, #tpu.memory_space<vmem>>, %arg6: memref<2x16x1024xf32, #tpu.memory_space<vmem>>, %arg7: memref<1024xf32, #tpu.memory_space<vmem>>, %arg8: memref<1024xf32, #tpu.memory_space<vmem>>, %arg9: memref<64xf32, #tpu.memory_space<vmem>>, %arg10: memref<64xf32, #tpu.memory_space<vmem>>, %arg11: memref<2x!tpu.dma_semaphore, #tpu.memory_space<semaphore_mem>>) attributes {dimension_semantics = [#tpu.dimension_semantics<core_parallel>, #tpu.dimension_semantics<subcore_parallel>], iteration_bounds = array<i64: 2, 16>, scalar_prefetch = 0 : i64, scratch_operands = 7 : i64, tpu.core_type = #tpu.core_type<sc_vector_subcore>, window_params = [{transform_indices = #map}, {transform_indices = #map}, {transform_indices = #map1}]} {
    %mul3A = arith.constant 2 : i32
    %mul3A_0 = arith.muli %arg1, %mul3A : i32
    %add3A = arith.addi %mul3A_0, %arg0 : i32
    %mul3A_1 = arith.constant 512 : i32
    %mul3A_2 = arith.muli %add3A, %mul3A_1 : i32
    %broadcast_in_dim3A = arith.constant 0.000000e+00 : f32
    %broadcast_in_dim3A_3 = vector.broadcast %broadcast_in_dim3A : f32 to vector<16xf32>
    %swap3A = arith.constant 0 : index
    %swap3A_4 = tpu.vector_load %arg7[%swap3A] {strides = array<i32>} : memref<1024xf32, #tpu.memory_space<vmem>>, vector<16xf32>,
    tpu.vector_store %arg7[%swap3A], %broadcast_in_dim3A_3 {strides = array<i32>} : memref<1024xf32, #tpu.memory_space<vmem>>, vector<16xf32>,
    %swap3A_5 = arith.constant 0 : index
    %swap3A_6 = tpu.vector_load %arg8[%swap3A_5] {strides = array<i32>} : memref<1024xf32, #tpu.memory_space<vmem>>, vector<16xf32>,
    tpu.vector_store %arg8[%swap3A_5], %broadcast_in_dim3A_3 {strides = array<i32>} : memref<1024xf32, #tpu.memory_space<vmem>>, vector<16xf32>,
    %swap3A_7 = arith.constant 16 : index
    %swap3A_8 = tpu.vector_load %arg7[%swap3A_7] {strides = array<i32>} : memref<1024xf32, #tpu.memory_space<vmem>>, vector<16xf32>,
    tpu.vector_store %arg7[%swap3A_7], %broadcast_in_dim3A_3 {strides = array<i32>} : memref<1024xf32, #tpu.memory_space<vmem>>, vector<16xf32>,
    %swap3A_9 = arith.constant 16 : index
    %swap3A_10 = tpu.vector_load %arg8[%swap3A_9] {strides = array<i32>} : memref<1024xf32, #tpu.memory_space<vmem>>, vector<16xf32>,
    tpu.vector_store %arg8[%swap3A_9], %broadcast_in_dim3A_3 {strides = array<i32>} : memref<1024xf32, #tpu.memory_space<vmem>>, vector<16xf32>,
    %swap3A_11 = arith.constant 32 : index
    %swap3A_12 = tpu.vector_load %arg7[%swap3A_11] {strides = array<i32>} : memref<1024xf32, #tpu.memory_space<vmem>>, vector<16xf32>,
    tpu.vector_store %arg7[%swap3A_11], %broadcast_in_dim3A_3 {strides = array<i32>} : memref<1024xf32, #tpu.memory_space<vmem>>, vector<16xf32>,
    %swap3A_13 = arith.constant 32 : index
    %swap3A_14 = tpu.vector_load %arg8[%swap3A_13] {strides = array<i32>} : memref<1024xf32, #tpu.memory_space<vmem>>, vector<16xf32>,
    tpu.vector_store %arg8[%swap3A_13], %broadcast_in_dim3A_3 {strides = array<i32>} : memref<1024xf32, #tpu.memory_space<vmem>>, vector<16xf32>,
    %swap3A_15 = arith.constant 48 : index
    %swap3A_16 = tpu.vector_load %arg7[%swap3A_15] {strides = array<i32>} : memref<1024xf32, #tpu.memory_space<vmem>>, vector<16xf32>,
    tpu.vector_store %arg7[%swap3A_15], %broadcast_in_dim3A_3 {strides = array<i32>} : memref<1024xf32, #tpu.memory_space<vmem>>, vector<16xf32>,
    %swap3A_17 = arith.constant 48 : index
    %swap3A_18 = tpu.vector_load %arg8[%swap3A_17] {strides = array<i32>} : memref<1024xf32, #tpu.memory_space<vmem>>, vector<16xf32>,
    tpu.vector_store %arg8[%swap3A_17], %broadcast_in_dim3A_3 {strides = array<i32>} : memref<1024xf32, #tpu.memory_space<vmem>>, vector<16xf32>,
    %swap3A_19 = arith.constant 64 : index
    %swap3A_20 = tpu.vector_load %arg7[%swap3A_19] {strides = array<i32>} : memref<1024xf32, #tpu.memory_space<vmem>>, vector<16xf32>,
    tpu.vector_store %arg7[%swap3A_19], %broadcast_in_dim3A_3 {strides = array<i32>} : memref<1024xf32, #tpu.memory_space<vmem>>, vector<16xf32>,
    %swap3A_21 = arith.constant 64 : index
    %swap3A_22 = tpu.vector_load %arg8[%swap3A_21] {strides = array<i32>} : memref<1024xf32, #tpu.memory_space<vmem>>, vector<16xf32>,
    tpu.vector_store %arg8[%swap3A_21], %broadcast_in_dim3A_3 {strides = array<i32>} : memref<1024xf32, #tpu.memory_space<vmem>>, vector<16xf32>,
    %swap3A_23 = arith.constant 80 : index
    %swap3A_24 = tpu.vector_load %arg7[%swap3A_23] {strides = array<i32>} : memref<1024xf32, #tpu.memory_space<vmem>>, vector<16xf32>,
    tpu.vector_store %arg7[%swap3A_23], %broadcast_in_dim3A_3 {strides = array<i32>} : memref<1024xf32, #tpu.memory_space<vmem>>, vector<16xf32>,
    %swap3A_25 = arith.constant 80 : index
    %swap3A_26 = tpu.vector_load %arg8[%swap3A_25] {strides = array<i32>} : memref<1024xf32, #tpu.memory_space<vmem>>, vector<16xf32>,
    tpu.vector_store %arg8[%swap3A_25], %broadcast_in_dim3A_3 {strides = array<i32>} : memref<1024xf32, #tpu.memory_space<vmem>>, vector<16xf32>,
    %swap3A_27 = arith.constant 96 : index
    %swap3A_28 = tpu.vector_load %arg7[%swap3A_27] {strides = array<i32>} : memref<1024xf32, #tpu.memory_space<vmem>>, vector<16xf32>,
    tpu.vector_store %arg7[%swap3A_27], %broadcast_in_dim3A_3 {strides = array<i32>} : memref<1024xf32, #tpu.memory_space<vmem>>, vector<16xf32>,
    %swap3A_29 = arith.constant 96 : index
    %swap3A_30 = tpu.vector_load %arg8[%swap3A_29] {strides = array<i32>} : memref<1024xf32, #tpu.memory_space<vmem>>, vector<16xf32>,
    tpu.vector_store %arg8[%swap3A_29], %broadcast_in_dim3A_3 {strides = array<i32>} : memref<1024xf32, #tpu.memory_space<vmem>>, vector<16xf32>,
    %swap3A_31 = arith.constant 112 : index
    %swap3A_32 = tpu.vector_load %arg7[%swap3A_31] {strides = array<i32>} : memref<1024xf32, #tpu.memory_space<vmem>>, vector<16xf32>,
    tpu.vector_store %arg7[%swap3A_31], %broadcast_in_dim3A_3 {strides = array<i32>} : memref<1024xf32, #tpu.memory_space<vmem>>, vector<16xf32>,
    %swap3A_33 = arith.constant 112 : index
    %swap3A_34 = tpu.vector_load %arg8[%swap3A_33] {strides = array<i32>} : memref<1024xf32, #tpu.memory_space<vmem>>, vector<16xf32>,
    tpu.vector_store %arg8[%swap3A_33], %broadcast_in_dim3A_3 {strides = array<i32>} : memref<1024xf32, #tpu.memory_space<vmem>>, vector<16xf32>,
    %swap3A_35 = arith.constant 128 : index
    %swap3A_36 = tpu.vector_load %arg7[%swap3A_35] {strides = array<i32>} : memref<1024xf32, #tpu.memory_space<vmem>>, vector<16xf32>,
    tpu.vector_store %arg7[%swap3A_35], %broadcast_in_dim3A_3 {strides = array<i32>} : memref<1024xf32, #tpu.memory_space<vmem>>, vector<16xf32>,
    %swap3A_37 = arith.constant 128 : index
    %swap3A_38 = tpu.vector_load %arg8[%swap3A_37] {strides = array<i32>} : memref<1024xf32, #tpu.memory_space<vmem>>, vector<16xf32>,
    tpu.vector_store %arg8[%swap3A_37], %broadcast_in_dim3A_3 {strides = array<i32>} : memref<1024xf32, #tpu.memory_space<vmem>>, vector<16xf32>,
    %swap3A_39 = arith.constant 144 : index
    %swap3A_40 = tpu.vector_load %arg7[%swap3A_39] {strides = array<i32>} : memref<1024xf32, #tpu.memory_space<vmem>>, vector<16xf32>,
    tpu.vector_store %arg7[%swap3A_39], %broadcast_in_dim3A_3 {strides = array<i32>} : memref<1024xf32, #tpu.memory_space<vmem>>, vector<16xf32>,
    %swap3A_41 = arith.constant 144 : index
    %swap3A_42 = tpu.vector_load %arg8[%swap3A_41] {strides = array<i32>} : memref<1024xf32, #tpu.memory_space<vmem>>, vector<16xf32>,
    tpu.vector_store %arg8[%swap3A_41], %broadcast_in_dim3A_3 {strides = array<i32>} : memref<1024xf32, #tpu.memory_space<vmem>>, vector<16xf32>,
    %swap3A_43 = arith.constant 160 : index
    %swap3A_44 = tpu.vector_load %arg7[%swap3A_43] {strides = array<i32>} : memref<1024xf32, #tpu.memory_space<vmem>>, vector<16xf32>,
    tpu.vector_store %arg7[%swap3A_43], %broadcast_in_dim3A_3 {strides = array<i32>} : memref<1024xf32, #tpu.memory_space<vmem>>, vector<16xf32>,
    %swap3A_45 = arith.constant 160 : index
    %swap3A_46 = tpu.vector_load %arg8[%swap3A_45] {strides = array<i32>} : memref<1024xf32, #tpu.memory_space<vmem>>, vector<16xf32>,
    tpu.vector_store %arg8[%swap3A_45], %broadcast_in_dim3A_3 {strides = array<i32>} : memref<1024xf32, #tpu.memory_space<vmem>>, vector<16xf32>,
    %swap3A_47 = arith.constant 176 : index
    %swap3A_48 = tpu.vector_load %arg7[%swap3A_47] {strides = array<i32>} : memref<1024xf32, #tpu.memory_space<vmem>>, vector<16xf32>,
    tpu.vector_store %arg7[%swap3A_47], %broadcast_in_dim3A_3 {strides = array<i32>} : memref<1024xf32, #tpu.memory_space<vmem>>, vector<16xf32>,
    %swap3A_49 = arith.constant 176 : index
    %swap3A_50 = tpu.vector_load %arg8[%swap3A_49] {strides = array<i32>} : memref<1024xf32, #tpu.memory_space<vmem>>, vector<16xf32>,
    tpu.vector_store %arg8[%swap3A_49], %broadcast_in_dim3A_3 {strides = array<i32>} : memref<1024xf32, #tpu.memory_space<vmem>>, vector<16xf32>,
    %swap3A_51 = arith.constant 192 : index
    %swap3A_52 = tpu.vector_load %arg7[%swap3A_51] {strides = array<i32>} : memref<1024xf32, #tpu.memory_space<vmem>>, vector<16xf32>,
    tpu.vector_store %arg7[%swap3A_51], %broadcast_in_dim3A_3 {strides = array<i32>} : memref<1024xf32, #tpu.memory_space<vmem>>, vector<16xf32>,
    %swap3A_53 = arith.constant 192 : index
    %swap3A_54 = tpu.vector_load %arg8[%swap3A_53] {strides = array<i32>} : memref<1024xf32, #tpu.memory_space<vmem>>, vector<16xf32>,
    tpu.vector_store %arg8[%swap3A_53], %broadcast_in_dim3A_3 {strides = array<i32>} : memref<1024xf32, #tpu.memory_space<vmem>>, vector<16xf32>,
    %swap3A_55 = arith.constant 208 : index
    %swap3A_56 = tpu.vector_load %arg7[%swap3A_55] {strides = array<i32>} : memref<1024xf32, #tpu.memory_space<vmem>>, vector<16xf32>,
    tpu.vector_store %arg7[%swap3A_55], %broadcast_in_dim3A_3 {strides = array<i32>} : memref<1024xf32, #tpu.memory_space<vmem>>, vector<16xf32>,
    %swap3A_57 = arith.constant 208 : index
    %swap3A_58 = tpu.vector_load %arg8[%swap3A_57] {strides = array<i32>} : memref<1024xf32, #tpu.memory_space<vmem>>, vector<16xf32>,
    tpu.vector_store %arg8[%swap3A_57], %broadcast_in_dim3A_3 {strides = array<i32>} : memref<1024xf32, #tpu.memory_space<vmem>>, vector<16xf32>,
    %swap3A_59 = arith.constant 224 : index
    %swap3A_60 = tpu.vector_load %arg7[%swap3A_59] {strides = array<i32>} : memref<1024xf32, #tpu.memory_space<vmem>>, vector<16xf32>,
    tpu.vector_store %arg7[%swap3A_59], %broadcast_in_dim3A_3 {strides = array<i32>} : memref<1024xf32, #tpu.memory_space<vmem>>, vector<16xf32>,
    %swap3A_61 = arith.constant 224 : index
    %swap3A_62 = tpu.vector_load %arg8[%swap3A_61] {strides = array<i32>} : memref<1024xf32, #tpu.memory_space<vmem>>, vector<16xf32>,
    tpu.vector_store %arg8[%swap3A_61], %broadcast_in_dim3A_3 {strides = array<i32>} : memref<1024xf32, #tpu.memory_space<vmem>>, vector<16xf32>,
    %swap3A_63 = arith.constant 240 : index
    %swap3A_64 = tpu.vector_load %arg7[%swap3A_63] {strides = array<i32>} : memref<1024xf32, #tpu.memory_space<vmem>>, vector<16xf32>,
    tpu.vector_store %arg7[%swap3A_63], %broadcast_in_dim3A_3 {strides = array<i32>} : memref<1024xf32, #tpu.memory_space<vmem>>, vector<16xf32>,
    %swap3A_65 = arith.constant 240 : index
    %swap3A_66 = tpu.vector_load %arg8[%swap3A_65] {strides = array<i32>} : memref<1024xf32, #tpu.memory_space<vmem>>, vector<16xf32>,
    tpu.vector_store %arg8[%swap3A_65], %broadcast_in_dim3A_3 {strides = array<i32>} : memref<1024xf32, #tpu.memory_space<vmem>>, vector<16xf32>,
    %swap3A_67 = arith.constant 256 : index
    %swap3A_68 = tpu.vector_load %arg7[%swap3A_67] {strides = array<i32>} : memref<1024xf32, #tpu.memory_space<vmem>>, vector<16xf32>,
    tpu.vector_store %arg7[%swap3A_67], %broadcast_in_dim3A_3 {strides = array<i32>} : memref<1024xf32, #tpu.memory_space<vmem>>, vector<16xf32>,
    %swap3A_69 = arith.constant 256 : index
    %swap3A_70 = tpu.vector_load %arg8[%swap3A_69] {strides = array<i32>} : memref<1024xf32, #tpu.memory_space<vmem>>, vector<16xf32>,
    tpu.vector_store %arg8[%swap3A_69], %broadcast_in_dim3A_3 {strides = array<i32>} : memref<1024xf32, #tpu.memory_space<vmem>>, vector<16xf32>,
    %swap3A_71 = arith.constant 272 : index
    %swap3A_72 = tpu.vector_load %arg7[%swap3A_71] {strides = array<i32>} : memref<1024xf32, #tpu.memory_space<vmem>>, vector<16xf32>,
    tpu.vector_store %arg7[%swap3A_71], %broadcast_in_dim3A_3 {strides = array<i32>} : memref<1024xf32, #tpu.memory_space<vmem>>, vector<16xf32>,
    %swap3A_73 = arith.constant 272 : index
    %swap3A_74 = tpu.vector_load %arg8[%swap3A_73] {strides = array<i32>} : memref<1024xf32, #tpu.memory_space<vmem>>, vector<16xf32>,
    tpu.vector_store %arg8[%swap3A_73], %broadcast_in_dim3A_3 {strides = array<i32>} : memref<1024xf32, #tpu.memory_space<vmem>>, vector<16xf32>,
    %swap3A_75 = arith.constant 288 : index
    %swap3A_76 = tpu.vector_load %arg7[%swap3A_75] {strides = array<i32>} : memref<1024xf32, #tpu.memory_space<vmem>>, vector<16xf32>,
    tpu.vector_store %arg7[%swap3A_75], %broadcast_in_dim3A_3 {strides = array<i32>} : memref<1024xf32, #tpu.memory_space<vmem>>, vector<16xf32>,
    %swap3A_77 = arith.constant 288 : index
    %swap3A_78 = tpu.vector_load %arg8[%swap3A_77] {strides = array<i32>} : memref<1024xf32, #tpu.memory_space<vmem>>, vector<16xf32>,
    tpu.vector_store %arg8[%swap3A_77], %broadcast_in_dim3A_3 {strides = array<i32>} : memref<1024xf32, #tpu.memory_space<vmem>>, vector<16xf32>,
    %swap3A_79 = arith.constant 304 : index
    %swap3A_80 = tpu.vector_load %arg7[%swap3A_79] {strides = array<i32>} : memref<1024xf32, #tpu.memory_space<vmem>>, vector<16xf32>,
    tpu.vector_store %arg7[%swap3A_79], %broadcast_in_dim3A_3 {strides = array<i32>} : memref<1024xf32, #tpu.memory_space<vmem>>, vector<16xf32>,
    %swap3A_81 = arith.constant 304 : index
    %swap3A_82 = tpu.vector_load %arg8[%swap3A_81] {strides = array<i32>} : memref<1024xf32, #tpu.memory_space<vmem>>, vector<16xf32>,
    tpu.vector_store %arg8[%swap3A_81], %broadcast_in_dim3A_3 {strides = array<i32>} : memref<1024xf32, #tpu.memory_space<vmem>>, vector<16xf32>,
    %swap3A_83 = arith.constant 320 : index
    %swap3A_84 = tpu.vector_load %arg7[%swap3A_83] {strides = array<i32>} : memref<1024xf32, #tpu.memory_space<vmem>>, vector<16xf32>,
    tpu.vector_store %arg7[%swap3A_83], %broadcast_in_dim3A_3 {strides = array<i32>} : memref<1024xf32, #tpu.memory_space<vmem>>, vector<16xf32>,
    %swap3A_85 = arith.constant 320 : index
    %swap3A_86 = tpu.vector_load %arg8[%swap3A_85] {strides = array<i32>} : memref<1024xf32, #tpu.memory_space<vmem>>, vector<16xf32>,
    tpu.vector_store %arg8[%swap3A_85], %broadcast_in_dim3A_3 {strides = array<i32>} : memref<1024xf32, #tpu.memory_space<vmem>>, vector<16xf32>,
    %swap3A_87 = arith.constant 336 : index
    %swap3A_88 = tpu.vector_load %arg7[%swap3A_87] {strides = array<i32>} : memref<1024xf32, #tpu.memory_space<vmem>>, vector<16xf32>,
    tpu.vector_store %arg7[%swap3A_87], %broadcast_in_dim3A_3 {strides = array<i32>} : memref<1024xf32, #tpu.memory_space<vmem>>, vector<16xf32>,
    %swap3A_89 = arith.constant 336 : index
    %swap3A_90 = tpu.vector_load %arg8[%swap3A_89] {strides = array<i32>} : memref<1024xf32, #tpu.memory_space<vmem>>, vector<16xf32>,
    tpu.vector_store %arg8[%swap3A_89], %broadcast_in_dim3A_3 {strides = array<i32>} : memref<1024xf32, #tpu.memory_space<vmem>>, vector<16xf32>,
    %swap3A_91 = arith.constant 352 : index
    %swap3A_92 = tpu.vector_load %arg7[%swap3A_91] {strides = array<i32>} : memref<1024xf32, #tpu.memory_space<vmem>>, vector<16xf32>,
    tpu.vector_store %arg7[%swap3A_91], %broadcast_in_dim3A_3 {strides = array<i32>} : memref<1024xf32, #tpu.memory_space<vmem>>, vector<16xf32>,
    %swap3A_93 = arith.constant 352 : index
    %swap3A_94 = tpu.vector_load %arg8[%swap3A_93] {strides = array<i32>} : memref<1024xf32, #tpu.memory_space<vmem>>, vector<16xf32>,
    tpu.vector_store %arg8[%swap3A_93], %broadcast_in_dim3A_3 {strides = array<i32>} : memref<1024xf32, #tpu.memory_space<vmem>>, vector<16xf32>,
    %swap3A_95 = arith.constant 368 : index
    %swap3A_96 = tpu.vector_load %arg7[%swap3A_95] {strides = array<i32>} : memref<1024xf32, #tpu.memory_space<vmem>>, vector<16xf32>,
    tpu.vector_store %arg7[%swap3A_95], %broadcast_in_dim3A_3 {strides = array<i32>} : memref<1024xf32, #tpu.memory_space<vmem>>, vector<16xf32>,
    %swap3A_97 = arith.constant 368 : index
    %swap3A_98 = tpu.vector_load %arg8[%swap3A_97] {strides = array<i32>} : memref<1024xf32, #tpu.memory_space<vmem>>, vector<16xf32>,
    tpu.vector_store %arg8[%swap3A_97], %broadcast_in_dim3A_3 {strides = array<i32>} : memref<1024xf32, #tpu.memory_space<vmem>>, vector<16xf32>,
    %swap3A_99 = arith.constant 384 : index
    %swap3A_100 = tpu.vector_load %arg7[%swap3A_99] {strides = array<i32>} : memref<1024xf32, #tpu.memory_space<vmem>>, vector<16xf32>,
    tpu.vector_store %arg7[%swap3A_99], %broadcast_in_dim3A_3 {strides = array<i32>} : memref<1024xf32, #tpu.memory_space<vmem>>, vector<16xf32>,
    %swap3A_101 = arith.constant 384 : index
    %swap3A_102 = tpu.vector_load %arg8[%swap3A_101] {strides = array<i32>} : memref<1024xf32, #tpu.memory_space<vmem>>, vector<16xf32>,
    tpu.vector_store %arg8[%swap3A_101], %broadcast_in_dim3A_3 {strides = array<i32>} : memref<1024xf32, #tpu.memory_space<vmem>>, vector<16xf32>,
    %swap3A_103 = arith.constant 400 : index
    %swap3A_104 = tpu.vector_load %arg7[%swap3A_103] {strides = array<i32>} : memref<1024xf32, #tpu.memory_space<vmem>>, vector<16xf32>,
    tpu.vector_store %arg7[%swap3A_103], %broadcast_in_dim3A_3 {strides = array<i32>} : memref<1024xf32, #tpu.memory_space<vmem>>, vector<16xf32>,
    %swap3A_105 = arith.constant 400 : index
    %swap3A_106 = tpu.vector_load %arg8[%swap3A_105] {strides = array<i32>} : memref<1024xf32, #tpu.memory_space<vmem>>, vector<16xf32>,
    tpu.vector_store %arg8[%swap3A_105], %broadcast_in_dim3A_3 {strides = array<i32>} : memref<1024xf32, #tpu.memory_space<vmem>>, vector<16xf32>,
    %swap3A_107 = arith.constant 416 : index
    %swap3A_108 = tpu.vector_load %arg7[%swap3A_107] {strides = array<i32>} : memref<1024xf32, #tpu.memory_space<vmem>>, vector<16xf32>,
    tpu.vector_store %arg7[%swap3A_107], %broadcast_in_dim3A_3 {strides = array<i32>} : memref<1024xf32, #tpu.memory_space<vmem>>, vector<16xf32>,
    %swap3A_109 = arith.constant 416 : index
    %swap3A_110 = tpu.vector_load %arg8[%swap3A_109] {strides = array<i32>} : memref<1024xf32, #tpu.memory_space<vmem>>, vector<16xf32>,
    tpu.vector_store %arg8[%swap3A_109], %broadcast_in_dim3A_3 {strides = array<i32>} : memref<1024xf32, #tpu.memory_space<vmem>>, vector<16xf32>,
    %swap3A_111 = arith.constant 432 : index
    %swap3A_112 = tpu.vector_load %arg7[%swap3A_111] {strides = array<i32>} : memref<1024xf32, #tpu.memory_space<vmem>>, vector<16xf32>,
    tpu.vector_store %arg7[%swap3A_111], %broadcast_in_dim3A_3 {strides = array<i32>} : memref<1024xf32, #tpu.memory_space<vmem>>, vector<16xf32>,
    %swap3A_113 = arith.constant 432 : index
    %swap3A_114 = tpu.vector_load %arg8[%swap3A_113] {strides = array<i32>} : memref<1024xf32, #tpu.memory_space<vmem>>, vector<16xf32>,
    tpu.vector_store %arg8[%swap3A_113], %broadcast_in_dim3A_3 {strides = array<i32>} : memref<1024xf32, #tpu.memory_space<vmem>>, vector<16xf32>,
    %swap3A_115 = arith.constant 448 : index
    %swap3A_116 = tpu.vector_load %arg7[%swap3A_115] {strides = array<i32>} : memref<1024xf32, #tpu.memory_space<vmem>>, vector<16xf32>,
    tpu.vector_store %arg7[%swap3A_115], %broadcast_in_dim3A_3 {strides = array<i32>} : memref<1024xf32, #tpu.memory_space<vmem>>, vector<16xf32>,
    %swap3A_117 = arith.constant 448 : index
    %swap3A_118 = tpu.vector_load %arg8[%swap3A_117] {strides = array<i32>} : memref<1024xf32, #tpu.memory_space<vmem>>, vector<16xf32>,
    tpu.vector_store %arg8[%swap3A_117], %broadcast_in_dim3A_3 {strides = array<i32>} : memref<1024xf32, #tpu.memory_space<vmem>>, vector<16xf32>,
    %swap3A_119 = arith.constant 464 : index
    %swap3A_120 = tpu.vector_load %arg7[%swap3A_119] {strides = array<i32>} : memref<1024xf32, #tpu.memory_space<vmem>>, vector<16xf32>,
    tpu.vector_store %arg7[%swap3A_119], %broadcast_in_dim3A_3 {strides = array<i32>} : memref<1024xf32, #tpu.memory_space<vmem>>, vector<16xf32>,
    %swap3A_121 = arith.constant 464 : index
    %swap3A_122 = tpu.vector_load %arg8[%swap3A_121] {strides = array<i32>} : memref<1024xf32, #tpu.memory_space<vmem>>, vector<16xf32>,
    tpu.vector_store %arg8[%swap3A_121], %broadcast_in_dim3A_3 {strides = array<i32>} : memref<1024xf32, #tpu.memory_space<vmem>>, vector<16xf32>,
    %swap3A_123 = arith.constant 480 : index
    %swap3A_124 = tpu.vector_load %arg7[%swap3A_123] {strides = array<i32>} : memref<1024xf32, #tpu.memory_space<vmem>>, vector<16xf32>,
    tpu.vector_store %arg7[%swap3A_123], %broadcast_in_dim3A_3 {strides = array<i32>} : memref<1024xf32, #tpu.memory_space<vmem>>, vector<16xf32>,
    %swap3A_125 = arith.constant 480 : index
    %swap3A_126 = tpu.vector_load %arg8[%swap3A_125] {strides = array<i32>} : memref<1024xf32, #tpu.memory_space<vmem>>, vector<16xf32>,
    tpu.vector_store %arg8[%swap3A_125], %broadcast_in_dim3A_3 {strides = array<i32>} : memref<1024xf32, #tpu.memory_space<vmem>>, vector<16xf32>,
    %swap3A_127 = arith.constant 496 : index
    %swap3A_128 = tpu.vector_load %arg7[%swap3A_127] {strides = array<i32>} : memref<1024xf32, #tpu.memory_space<vmem>>, vector<16xf32>,
    tpu.vector_store %arg7[%swap3A_127], %broadcast_in_dim3A_3 {strides = array<i32>} : memref<1024xf32, #tpu.memory_space<vmem>>, vector<16xf32>,
    %swap3A_129 = arith.constant 496 : index
    %swap3A_130 = tpu.vector_load %arg8[%swap3A_129] {strides = array<i32>} : memref<1024xf32, #tpu.memory_space<vmem>>, vector<16xf32>,
    tpu.vector_store %arg8[%swap3A_129], %broadcast_in_dim3A_3 {strides = array<i32>} : memref<1024xf32, #tpu.memory_space<vmem>>, vector<16xf32>,
    %swap3A_131 = arith.constant 512 : index
    %swap3A_132 = tpu.vector_load %arg7[%swap3A_131] {strides = array<i32>} : memref<1024xf32, #tpu.memory_space<vmem>>, vector<16xf32>,
    tpu.vector_store %arg7[%swap3A_131], %broadcast_in_dim3A_3 {strides = array<i32>} : memref<1024xf32, #tpu.memory_space<vmem>>, vector<16xf32>,
    %swap3A_133 = arith.constant 512 : index
    %swap3A_134 = tpu.vector_load %arg8[%swap3A_133] {strides = array<i32>} : memref<1024xf32, #tpu.memory_space<vmem>>, vector<16xf32>,
    tpu.vector_store %arg8[%swap3A_133], %broadcast_in_dim3A_3 {strides = array<i32>} : memref<1024xf32, #tpu.memory_space<vmem>>, vector<16xf32>,
    %swap3A_135 = arith.constant 528 : index
    %swap3A_136 = tpu.vector_load %arg7[%swap3A_135] {strides = array<i32>} : memref<1024xf32, #tpu.memory_space<vmem>>, vector<16xf32>,
    tpu.vector_store %arg7[%swap3A_135], %broadcast_in_dim3A_3 {strides = array<i32>} : memref<1024xf32, #tpu.memory_space<vmem>>, vector<16xf32>,
    %swap3A_137 = arith.constant 528 : index
    %swap3A_138 = tpu.vector_load %arg8[%swap3A_137] {strides = array<i32>} : memref<1024xf32, #tpu.memory_space<vmem>>, vector<16xf32>,
    tpu.vector_store %arg8[%swap3A_137], %broadcast_in_dim3A_3 {strides = array<i32>} : memref<1024xf32, #tpu.memory_space<vmem>>, vector<16xf32>,
    %swap3A_139 = arith.constant 544 : index
    %swap3A_140 = tpu.vector_load %arg7[%swap3A_139] {strides = array<i32>} : memref<1024xf32, #tpu.memory_space<vmem>>, vector<16xf32>,
    tpu.vector_store %arg7[%swap3A_139], %broadcast_in_dim3A_3 {strides = array<i32>} : memref<1024xf32, #tpu.memory_space<vmem>>, vector<16xf32>,
    %swap3A_141 = arith.constant 544 : index
    %swap3A_142 = tpu.vector_load %arg8[%swap3A_141] {strides = array<i32>} : memref<1024xf32, #tpu.memory_space<vmem>>, vector<16xf32>,
    tpu.vector_store %arg8[%swap3A_141], %broadcast_in_dim3A_3 {strides = array<i32>} : memref<1024xf32, #tpu.memory_space<vmem>>, vector<16xf32>,
    %swap3A_143 = arith.constant 560 : index
    %swap3A_144 = tpu.vector_load %arg7[%swap3A_143] {strides = array<i32>} : memref<1024xf32, #tpu.memory_space<vmem>>, vector<16xf32>,
    tpu.vector_store %arg7[%swap3A_143], %broadcast_in_dim3A_3 {strides = array<i32>} : memref<1024xf32, #tpu.memory_space<vmem>>, vector<16xf32>,
    %swap3A_145 = arith.constant 560 : index
    %swap3A_146 = tpu.vector_load %arg8[%swap3A_145] {strides = array<i32>} : memref<1024xf32, #tpu.memory_space<vmem>>, vector<16xf32>,
    tpu.vector_store %arg8[%swap3A_145], %broadcast_in_dim3A_3 {strides = array<i32>} : memref<1024xf32, #tpu.memory_space<vmem>>, vector<16xf32>,
    %swap3A_147 = arith.constant 576 : index
    %swap3A_148 = tpu.vector_load %arg7[%swap3A_147] {strides = array<i32>} : memref<1024xf32, #tpu.memory_space<vmem>>, vector<16xf32>,
    tpu.vector_store %arg7[%swap3A_147], %broadcast_in_dim3A_3 {strides = array<i32>} : memref<1024xf32, #tpu.memory_space<vmem>>, vector<16xf32>,
    %swap3A_149 = arith.constant 576 : index
    %swap3A_150 = tpu.vector_load %arg8[%swap3A_149] {strides = array<i32>} : memref<1024xf32, #tpu.memory_space<vmem>>, vector<16xf32>,
    tpu.vector_store %arg8[%swap3A_149], %broadcast_in_dim3A_3 {strides = array<i32>} : memref<1024xf32, #tpu.memory_space<vmem>>, vector<16xf32>,
    %swap3A_151 = arith.constant 592 : index
    %swap3A_152 = tpu.vector_load %arg7[%swap3A_151] {strides = array<i32>} : memref<1024xf32, #tpu.memory_space<vmem>>, vector<16xf32>,
    tpu.vector_store %arg7[%swap3A_151], %broadcast_in_dim3A_3 {strides = array<i32>} : memref<1024xf32, #tpu.memory_space<vmem>>, vector<16xf32>,
    %swap3A_153 = arith.constant 592 : index
    %swap3A_154 = tpu.vector_load %arg8[%swap3A_153] {strides = array<i32>} : memref<1024xf32, #tpu.memory_space<vmem>>, vector<16xf32>,
    tpu.vector_store %arg8[%swap3A_153], %broadcast_in_dim3A_3 {strides = array<i32>} : memref<1024xf32, #tpu.memory_space<vmem>>, vector<16xf32>,
    %swap3A_155 = arith.constant 608 : index
    %swap3A_156 = tpu.vector_load %arg7[%swap3A_155] {strides = array<i32>} : memref<1024xf32, #tpu.memory_space<vmem>>, vector<16xf32>,
    tpu.vector_store %arg7[%swap3A_155], %broadcast_in_dim3A_3 {strides = array<i32>} : memref<1024xf32, #tpu.memory_space<vmem>>, vector<16xf32>,
    %swap3A_157 = arith.constant 608 : index
    %swap3A_158 = tpu.vector_load %arg8[%swap3A_157] {strides = array<i32>} : memref<1024xf32, #tpu.memory_space<vmem>>, vector<16xf32>,
    tpu.vector_store %arg8[%swap3A_157], %broadcast_in_dim3A_3 {strides = array<i32>} : memref<1024xf32, #tpu.memory_space<vmem>>, vector<16xf32>,
    %swap3A_159 = arith.constant 624 : index
    %swap3A_160 = tpu.vector_load %arg7[%swap3A_159] {strides = array<i32>} : memref<1024xf32, #tpu.memory_space<vmem>>, vector<16xf32>,
    tpu.vector_store %arg7[%swap3A_159], %broadcast_in_dim3A_3 {strides = array<i32>} : memref<1024xf32, #tpu.memory_space<vmem>>, vector<16xf32>,
    %swap3A_161 = arith.constant 624 : index
    %swap3A_162 = tpu.vector_load %arg8[%swap3A_161] {strides = array<i32>} : memref<1024xf32, #tpu.memory_space<vmem>>, vector<16xf32>,
    tpu.vector_store %arg8[%swap3A_161], %broadcast_in_dim3A_3 {strides = array<i32>} : memref<1024xf32, #tpu.memory_space<vmem>>, vector<16xf32>,
    %swap3A_163 = arith.constant 640 : index
    %swap3A_164 = tpu.vector_load %arg7[%swap3A_163] {strides = array<i32>} : memref<1024xf32, #tpu.memory_space<vmem>>, vector<16xf32>,
    tpu.vector_store %arg7[%swap3A_163], %broadcast_in_dim3A_3 {strides = array<i32>} : memref<1024xf32, #tpu.memory_space<vmem>>, vector<16xf32>,
    %swap3A_165 = arith.constant 640 : index
    %swap3A_166 = tpu.vector_load %arg8[%swap3A_165] {strides = array<i32>} : memref<1024xf32, #tpu.memory_space<vmem>>, vector<16xf32>,
    tpu.vector_store %arg8[%swap3A_165], %broadcast_in_dim3A_3 {strides = array<i32>} : memref<1024xf32, #tpu.memory_space<vmem>>, vector<16xf32>,
    %swap3A_167 = arith.constant 656 : index
    %swap3A_168 = tpu.vector_load %arg7[%swap3A_167] {strides = array<i32>} : memref<1024xf32, #tpu.memory_space<vmem>>, vector<16xf32>,
    tpu.vector_store %arg7[%swap3A_167], %broadcast_in_dim3A_3 {strides = array<i32>} : memref<1024xf32, #tpu.memory_space<vmem>>, vector<16xf32>,
    %swap3A_169 = arith.constant 656 : index
    %swap3A_170 = tpu.vector_load %arg8[%swap3A_169] {strides = array<i32>} : memref<1024xf32, #tpu.memory_space<vmem>>, vector<16xf32>,
    tpu.vector_store %arg8[%swap3A_169], %broadcast_in_dim3A_3 {strides = array<i32>} : memref<1024xf32, #tpu.memory_space<vmem>>, vector<16xf32>,
    %swap3A_171 = arith.constant 672 : index
    %swap3A_172 = tpu.vector_load %arg7[%swap3A_171] {strides = array<i32>} : memref<1024xf32, #tpu.memory_space<vmem>>, vector<16xf32>,
    tpu.vector_store %arg7[%swap3A_171], %broadcast_in_dim3A_3 {strides = array<i32>} : memref<1024xf32, #tpu.memory_space<vmem>>, vector<16xf32>,
    %swap3A_173 = arith.constant 672 : index
    %swap3A_174 = tpu.vector_load %arg8[%swap3A_173] {strides = array<i32>} : memref<1024xf32, #tpu.memory_space<vmem>>, vector<16xf32>,
    tpu.vector_store %arg8[%swap3A_173], %broadcast_in_dim3A_3 {strides = array<i32>} : memref<1024xf32, #tpu.memory_space<vmem>>, vector<16xf32>,
    %swap3A_175 = arith.constant 688 : index
    %swap3A_176 = tpu.vector_load %arg7[%swap3A_175] {strides = array<i32>} : memref<1024xf32, #tpu.memory_space<vmem>>, vector<16xf32>,
    tpu.vector_store %arg7[%swap3A_175], %broadcast_in_dim3A_3 {strides = array<i32>} : memref<1024xf32, #tpu.memory_space<vmem>>, vector<16xf32>,
    %swap3A_177 = arith.constant 688 : index
    %swap3A_178 = tpu.vector_load %arg8[%swap3A_177] {strides = array<i32>} : memref<1024xf32, #tpu.memory_space<vmem>>, vector<16xf32>,
    tpu.vector_store %arg8[%swap3A_177], %broadcast_in_dim3A_3 {strides = array<i32>} : memref<1024xf32, #tpu.memory_space<vmem>>, vector<16xf32>,
    %swap3A_179 = arith.constant 704 : index
    %swap3A_180 = tpu.vector_load %arg7[%swap3A_179] {strides = array<i32>} : memref<1024xf32, #tpu.memory_space<vmem>>, vector<16xf32>,
    tpu.vector_store %arg7[%swap3A_179], %broadcast_in_dim3A_3 {strides = array<i32>} : memref<1024xf32, #tpu.memory_space<vmem>>, vector<16xf32>,
    %swap3A_181 = arith.constant 704 : index
    %swap3A_182 = tpu.vector_load %arg8[%swap3A_181] {strides = array<i32>} : memref<1024xf32, #tpu.memory_space<vmem>>, vector<16xf32>,
    tpu.vector_store %arg8[%swap3A_181], %broadcast_in_dim3A_3 {strides = array<i32>} : memref<1024xf32, #tpu.memory_space<vmem>>, vector<16xf32>,
    %swap3A_183 = arith.constant 720 : index
    %swap3A_184 = tpu.vector_load %arg7[%swap3A_183] {strides = array<i32>} : memref<1024xf32, #tpu.memory_space<vmem>>, vector<16xf32>,
    tpu.vector_store %arg7[%swap3A_183], %broadcast_in_dim3A_3 {strides = array<i32>} : memref<1024xf32, #tpu.memory_space<vmem>>, vector<16xf32>,
    %swap3A_185 = arith.constant 720 : index
    %swap3A_186 = tpu.vector_load %arg8[%swap3A_185] {strides = array<i32>} : memref<1024xf32, #tpu.memory_space<vmem>>, vector<16xf32>,
    tpu.vector_store %arg8[%swap3A_185], %broadcast_in_dim3A_3 {strides = array<i32>} : memref<1024xf32, #tpu.memory_space<vmem>>, vector<16xf32>,
    %swap3A_187 = arith.constant 736 : index
    %swap3A_188 = tpu.vector_load %arg7[%swap3A_187] {strides = array<i32>} : memref<1024xf32, #tpu.memory_space<vmem>>, vector<16xf32>,
    tpu.vector_store %arg7[%swap3A_187], %broadcast_in_dim3A_3 {strides = array<i32>} : memref<1024xf32, #tpu.memory_space<vmem>>, vector<16xf32>,
    %swap3A_189 = arith.constant 736 : index
    %swap3A_190 = tpu.vector_load %arg8[%swap3A_189] {strides = array<i32>} : memref<1024xf32, #tpu.memory_space<vmem>>, vector<16xf32>,
    tpu.vector_store %arg8[%swap3A_189], %broadcast_in_dim3A_3 {strides = array<i32>} : memref<1024xf32, #tpu.memory_space<vmem>>, vector<16xf32>,
    %swap3A_191 = arith.constant 752 : index
    %swap3A_192 = tpu.vector_load %arg7[%swap3A_191] {strides = array<i32>} : memref<1024xf32, #tpu.memory_space<vmem>>, vector<16xf32>,
    tpu.vector_store %arg7[%swap3A_191], %broadcast_in_dim3A_3 {strides = array<i32>} : memref<1024xf32, #tpu.memory_space<vmem>>, vector<16xf32>,
    %swap3A_193 = arith.constant 752 : index
    %swap3A_194 = tpu.vector_load %arg8[%swap3A_193] {strides = array<i32>} : memref<1024xf32, #tpu.memory_space<vmem>>, vector<16xf32>,
    tpu.vector_store %arg8[%swap3A_193], %broadcast_in_dim3A_3 {strides = array<i32>} : memref<1024xf32, #tpu.memory_space<vmem>>, vector<16xf32>,
    %swap3A_195 = arith.constant 768 : index
    %swap3A_196 = tpu.vector_load %arg7[%swap3A_195] {strides = array<i32>} : memref<1024xf32, #tpu.memory_space<vmem>>, vector<16xf32>,
    tpu.vector_store %arg7[%swap3A_195], %broadcast_in_dim3A_3 {strides = array<i32>} : memref<1024xf32, #tpu.memory_space<vmem>>, vector<16xf32>,
    %swap3A_197 = arith.constant 768 : index
    %swap3A_198 = tpu.vector_load %arg8[%swap3A_197] {strides = array<i32>} : memref<1024xf32, #tpu.memory_space<vmem>>, vector<16xf32>,
    tpu.vector_store %arg8[%swap3A_197], %broadcast_in_dim3A_3 {strides = array<i32>} : memref<1024xf32, #tpu.memory_space<vmem>>, vector<16xf32>,
    %swap3A_199 = arith.constant 784 : index
    %swap3A_200 = tpu.vector_load %arg7[%swap3A_199] {strides = array<i32>} : memref<1024xf32, #tpu.memory_space<vmem>>, vector<16xf32>,
    tpu.vector_store %arg7[%swap3A_199], %broadcast_in_dim3A_3 {strides = array<i32>} : memref<1024xf32, #tpu.memory_space<vmem>>, vector<16xf32>,
    %swap3A_201 = arith.constant 784 : index
    %swap3A_202 = tpu.vector_load %arg8[%swap3A_201] {strides = array<i32>} : memref<1024xf32, #tpu.memory_space<vmem>>, vector<16xf32>,
    tpu.vector_store %arg8[%swap3A_201], %broadcast_in_dim3A_3 {strides = array<i32>} : memref<1024xf32, #tpu.memory_space<vmem>>, vector<16xf32>,
    %swap3A_203 = arith.constant 800 : index
    %swap3A_204 = tpu.vector_load %arg7[%swap3A_203] {strides = array<i32>} : memref<1024xf32, #tpu.memory_space<vmem>>, vector<16xf32>,
    tpu.vector_store %arg7[%swap3A_203], %broadcast_in_dim3A_3 {strides = array<i32>} : memref<1024xf32, #tpu.memory_space<vmem>>, vector<16xf32>,
    %swap3A_205 = arith.constant 800 : index
    %swap3A_206 = tpu.vector_load %arg8[%swap3A_205] {strides = array<i32>} : memref<1024xf32, #tpu.memory_space<vmem>>, vector<16xf32>,
    tpu.vector_store %arg8[%swap3A_205], %broadcast_in_dim3A_3 {strides = array<i32>} : memref<1024xf32, #tpu.memory_space<vmem>>, vector<16xf32>,
    %swap3A_207 = arith.constant 816 : index
    %swap3A_208 = tpu.vector_load %arg7[%swap3A_207] {strides = array<i32>} : memref<1024xf32, #tpu.memory_space<vmem>>, vector<16xf32>,
    tpu.vector_store %arg7[%swap3A_207], %broadcast_in_dim3A_3 {strides = array<i32>} : memref<1024xf32, #tpu.memory_space<vmem>>, vector<16xf32>,
    %swap3A_209 = arith.constant 816 : index
    %swap3A_210 = tpu.vector_load %arg8[%swap3A_209] {strides = array<i32>} : memref<1024xf32, #tpu.memory_space<vmem>>, vector<16xf32>,
    tpu.vector_store %arg8[%swap3A_209], %broadcast_in_dim3A_3 {strides = array<i32>} : memref<1024xf32, #tpu.memory_space<vmem>>, vector<16xf32>,
    %swap3A_211 = arith.constant 832 : index
    %swap3A_212 = tpu.vector_load %arg7[%swap3A_211] {strides = array<i32>} : memref<1024xf32, #tpu.memory_space<vmem>>, vector<16xf32>,
    tpu.vector_store %arg7[%swap3A_211], %broadcast_in_dim3A_3 {strides = array<i32>} : memref<1024xf32, #tpu.memory_space<vmem>>, vector<16xf32>,
    %swap3A_213 = arith.constant 832 : index
    %swap3A_214 = tpu.vector_load %arg8[%swap3A_213] {strides = array<i32>} : memref<1024xf32, #tpu.memory_space<vmem>>, vector<16xf32>,
    tpu.vector_store %arg8[%swap3A_213], %broadcast_in_dim3A_3 {strides = array<i32>} : memref<1024xf32, #tpu.memory_space<vmem>>, vector<16xf32>,
    %swap3A_215 = arith.constant 848 : index
    %swap3A_216 = tpu.vector_load %arg7[%swap3A_215] {strides = array<i32>} : memref<1024xf32, #tpu.memory_space<vmem>>, vector<16xf32>,
    tpu.vector_store %arg7[%swap3A_215], %broadcast_in_dim3A_3 {strides = array<i32>} : memref<1024xf32, #tpu.memory_space<vmem>>, vector<16xf32>,
    %swap3A_217 = arith.constant 848 : index
    %swap3A_218 = tpu.vector_load %arg8[%swap3A_217] {strides = array<i32>} : memref<1024xf32, #tpu.memory_space<vmem>>, vector<16xf32>,
    tpu.vector_store %arg8[%swap3A_217], %broadcast_in_dim3A_3 {strides = array<i32>} : memref<1024xf32, #tpu.memory_space<vmem>>, vector<16xf32>,
    %swap3A_219 = arith.constant 864 : index
    %swap3A_220 = tpu.vector_load %arg7[%swap3A_219] {strides = array<i32>} : memref<1024xf32, #tpu.memory_space<vmem>>, vector<16xf32>,
    tpu.vector_store %arg7[%swap3A_219], %broadcast_in_dim3A_3 {strides = array<i32>} : memref<1024xf32, #tpu.memory_space<vmem>>, vector<16xf32>,
    %swap3A_221 = arith.constant 864 : index
    %swap3A_222 = tpu.vector_load %arg8[%swap3A_221] {strides = array<i32>} : memref<1024xf32, #tpu.memory_space<vmem>>, vector<16xf32>,
    tpu.vector_store %arg8[%swap3A_221], %broadcast_in_dim3A_3 {strides = array<i32>} : memref<1024xf32, #tpu.memory_space<vmem>>, vector<16xf32>,
    %swap3A_223 = arith.constant 880 : index
    %swap3A_224 = tpu.vector_load %arg7[%swap3A_223] {strides = array<i32>} : memref<1024xf32, #tpu.memory_space<vmem>>, vector<16xf32>,
    tpu.vector_store %arg7[%swap3A_223], %broadcast_in_dim3A_3 {strides = array<i32>} : memref<1024xf32, #tpu.memory_space<vmem>>, vector<16xf32>,
    %swap3A_225 = arith.constant 880 : index
    %swap3A_226 = tpu.vector_load %arg8[%swap3A_225] {strides = array<i32>} : memref<1024xf32, #tpu.memory_space<vmem>>, vector<16xf32>,
    tpu.vector_store %arg8[%swap3A_225], %broadcast_in_dim3A_3 {strides = array<i32>} : memref<1024xf32, #tpu.memory_space<vmem>>, vector<16xf32>,
    %swap3A_227 = arith.constant 896 : index
    %swap3A_228 = tpu.vector_load %arg7[%swap3A_227] {strides = array<i32>} : memref<1024xf32, #tpu.memory_space<vmem>>, vector<16xf32>,
    tpu.vector_store %arg7[%swap3A_227], %broadcast_in_dim3A_3 {strides = array<i32>} : memref<1024xf32, #tpu.memory_space<vmem>>, vector<16xf32>,
    %swap3A_229 = arith.constant 896 : index
    %swap3A_230 = tpu.vector_load %arg8[%swap3A_229] {strides = array<i32>} : memref<1024xf32, #tpu.memory_space<vmem>>, vector<16xf32>,
    tpu.vector_store %arg8[%swap3A_229], %broadcast_in_dim3A_3 {strides = array<i32>} : memref<1024xf32, #tpu.memory_space<vmem>>, vector<16xf32>,
    %swap3A_231 = arith.constant 912 : index
    %swap3A_232 = tpu.vector_load %arg7[%swap3A_231] {strides = array<i32>} : memref<1024xf32, #tpu.memory_space<vmem>>, vector<16xf32>,
    tpu.vector_store %arg7[%swap3A_231], %broadcast_in_dim3A_3 {strides = array<i32>} : memref<1024xf32, #tpu.memory_space<vmem>>, vector<16xf32>,
    %swap3A_233 = arith.constant 912 : index
    %swap3A_234 = tpu.vector_load %arg8[%swap3A_233] {strides = array<i32>} : memref<1024xf32, #tpu.memory_space<vmem>>, vector<16xf32>,
    tpu.vector_store %arg8[%swap3A_233], %broadcast_in_dim3A_3 {strides = array<i32>} : memref<1024xf32, #tpu.memory_space<vmem>>, vector<16xf32>,
    %swap3A_235 = arith.constant 928 : index
    %swap3A_236 = tpu.vector_load %arg7[%swap3A_235] {strides = array<i32>} : memref<1024xf32, #tpu.memory_space<vmem>>, vector<16xf32>,
    tpu.vector_store %arg7[%swap3A_235], %broadcast_in_dim3A_3 {strides = array<i32>} : memref<1024xf32, #tpu.memory_space<vmem>>, vector<16xf32>,
    %swap3A_237 = arith.constant 928 : index
    %swap3A_238 = tpu.vector_load %arg8[%swap3A_237] {strides = array<i32>} : memref<1024xf32, #tpu.memory_space<vmem>>, vector<16xf32>,
    tpu.vector_store %arg8[%swap3A_237], %broadcast_in_dim3A_3 {strides = array<i32>} : memref<1024xf32, #tpu.memory_space<vmem>>, vector<16xf32>,
    %swap3A_239 = arith.constant 944 : index
    %swap3A_240 = tpu.vector_load %arg7[%swap3A_239] {strides = array<i32>} : memref<1024xf32, #tpu.memory_space<vmem>>, vector<16xf32>,
    tpu.vector_store %arg7[%swap3A_239], %broadcast_in_dim3A_3 {strides = array<i32>} : memref<1024xf32, #tpu.memory_space<vmem>>, vector<16xf32>,
    %swap3A_241 = arith.constant 944 : index
    %swap3A_242 = tpu.vector_load %arg8[%swap3A_241] {strides = array<i32>} : memref<1024xf32, #tpu.memory_space<vmem>>, vector<16xf32>,
    tpu.vector_store %arg8[%swap3A_241], %broadcast_in_dim3A_3 {strides = array<i32>} : memref<1024xf32, #tpu.memory_space<vmem>>, vector<16xf32>,
    %swap3A_243 = arith.constant 960 : index
    %swap3A_244 = tpu.vector_load %arg7[%swap3A_243] {strides = array<i32>} : memref<1024xf32, #tpu.memory_space<vmem>>, vector<16xf32>,
    tpu.vector_store %arg7[%swap3A_243], %broadcast_in_dim3A_3 {strides = array<i32>} : memref<1024xf32, #tpu.memory_space<vmem>>, vector<16xf32>,
    %swap3A_245 = arith.constant 960 : index
    %swap3A_246 = tpu.vector_load %arg8[%swap3A_245] {strides = array<i32>} : memref<1024xf32, #tpu.memory_space<vmem>>, vector<16xf32>,
    tpu.vector_store %arg8[%swap3A_245], %broadcast_in_dim3A_3 {strides = array<i32>} : memref<1024xf32, #tpu.memory_space<vmem>>, vector<16xf32>,
    %swap3A_247 = arith.constant 976 : index
    %swap3A_248 = tpu.vector_load %arg7[%swap3A_247] {strides = array<i32>} : memref<1024xf32, #tpu.memory_space<vmem>>, vector<16xf32>,
    tpu.vector_store %arg7[%swap3A_247], %broadcast_in_dim3A_3 {strides = array<i32>} : memref<1024xf32, #tpu.memory_space<vmem>>, vector<16xf32>,
    %swap3A_249 = arith.constant 976 : index
    %swap3A_250 = tpu.vector_load %arg8[%swap3A_249] {strides = array<i32>} : memref<1024xf32, #tpu.memory_space<vmem>>, vector<16xf32>,
    tpu.vector_store %arg8[%swap3A_249], %broadcast_in_dim3A_3 {strides = array<i32>} : memref<1024xf32, #tpu.memory_space<vmem>>, vector<16xf32>,
    %swap3A_251 = arith.constant 992 : index
    %swap3A_252 = tpu.vector_load %arg7[%swap3A_251] {strides = array<i32>} : memref<1024xf32, #tpu.memory_space<vmem>>, vector<16xf32>,
    tpu.vector_store %arg7[%swap3A_251], %broadcast_in_dim3A_3 {strides = array<i32>} : memref<1024xf32, #tpu.memory_space<vmem>>, vector<16xf32>,
    %swap3A_253 = arith.constant 992 : index
    %swap3A_254 = tpu.vector_load %arg8[%swap3A_253] {strides = array<i32>} : memref<1024xf32, #tpu.memory_space<vmem>>, vector<16xf32>,
    tpu.vector_store %arg8[%swap3A_253], %broadcast_in_dim3A_3 {strides = array<i32>} : memref<1024xf32, #tpu.memory_space<vmem>>, vector<16xf32>,
    %swap3A_255 = arith.constant 1008 : index
    %swap3A_256 = tpu.vector_load %arg7[%swap3A_255] {strides = array<i32>} : memref<1024xf32, #tpu.memory_space<vmem>>, vector<16xf32>,
    tpu.vector_store %arg7[%swap3A_255], %broadcast_in_dim3A_3 {strides = array<i32>} : memref<1024xf32, #tpu.memory_space<vmem>>, vector<16xf32>,
    %swap3A_257 = arith.constant 1008 : index
    %swap3A_258 = tpu.vector_load %arg8[%swap3A_257] {strides = array<i32>} : memref<1024xf32, #tpu.memory_space<vmem>>, vector<16xf32>,
    tpu.vector_store %arg8[%swap3A_257], %broadcast_in_dim3A_3 {strides = array<i32>} : memref<1024xf32, #tpu.memory_space<vmem>>, vector<16xf32>,
    %broadcast_in_dim3A_259 = arith.constant 1.000000e+00 : f32
    %broadcast_in_dim3A_260 = vector.broadcast %broadcast_in_dim3A_259 : f32 to vector<16xf32>
    %iota3A = tpu.iota {dimensions = array<i32: 0>} : vector<16xi32>
    %mul3A_261 = arith.constant 64 : i32
    %mul3A_262 = vector.broadcast %mul3A_261 : i32 to vector<16xi32>
    %mul3A_263 = arith.muli %iota3A, %mul3A_262 : vector<16xi32>
    %add3A_264 = arith.constant 0 : i32
    %add3A_265 = arith.addi %mul3A_2, %add3A_264 : i32
    %dma_start3A = arith.constant 0 : i32
    %dma_start3A_266 = arith.constant 0 : i32
    %dma_start3A_267 = arith.constant 0 : i32
    %dma_start3A_268 = arith.constant 0 : i32
    %dma_start3A_269 = tpu.memref_slice %arg5[%dma_start3A, %dma_start3A_267, %dma_start3A_268] : memref<2x16x1024xf32, #tpu.memory_space<vmem>> -> memref<1x16x1024xf32, #tpu.memory_space<vmem>>
    %dma_start3A_270 = tpu.memref_squeeze %dma_start3A_269 : memref<1x16x1024xf32, #tpu.memory_space<vmem>> -> memref<16x1024xf32, #tpu.memory_space<vmem>>
    %dma_start3A_271 = arith.constant 0 : i32
    %dma_start3A_272 = tpu.memref_slice %arg2[%add3A_265, %dma_start3A_271] : memref<16384x1024xf32, #tpu.memory_space<hbm>> -> memref<16x1024xf32, #tpu.memory_space<hbm>>
    %dma_start3A_273 = tpu.memref_slice %arg11[%dma_start3A_266] : memref<2x!tpu.dma_semaphore, #tpu.memory_space<semaphore_mem>> -> memref<1x!tpu.dma_semaphore, #tpu.memory_space<semaphore_mem>>
    %dma_start3A_274 = tpu.memref_squeeze %dma_start3A_273 : memref<1x!tpu.dma_semaphore, #tpu.memory_space<semaphore_mem>> -> memref<!tpu.dma_semaphore, #tpu.memory_space<semaphore_mem>>
    %dma_start3A_275 = arith.constant 0 : i32
    %dma_start3A_276 = arith.constant 0 : i32
    %dma_start3A_277 = tpu.memref_slice %arg5[%dma_start3A, %dma_start3A_275, %dma_start3A_276] : memref<2x16x1024xf32, #tpu.memory_space<vmem>> -> memref<1x16x1024xf32, #tpu.memory_space<vmem>>
    %dma_start3A_278 = tpu.memref_squeeze %dma_start3A_277 : memref<1x16x1024xf32, #tpu.memory_space<vmem>> -> memref<16x1024xf32, #tpu.memory_space<vmem>>
    %dma_start3A_279 = arith.constant 0 : i32
    %dma_start3A_280 = tpu.memref_slice %arg2[%add3A_265, %dma_start3A_279] : memref<16384x1024xf32, #tpu.memory_space<hbm>> -> memref<16x1024xf32, #tpu.memory_space<hbm>>
    tpu.enqueue_dma source(%dma_start3A_280 : memref<16x1024xf32, #tpu.memory_space<hbm>>) target(%dma_start3A_278 : memref<16x1024xf32, #tpu.memory_space<vmem>>) target_semaphore(%dma_start3A_274 : memref<!tpu.dma_semaphore, #tpu.memory_space<semaphore_mem>>)
    %dma_start3A_281 = arith.constant 0 : i32
    %dma_start3A_282 = arith.constant 0 : i32
    %dma_start3A_283 = arith.constant 0 : i32
    %dma_start3A_284 = arith.constant 0 : i32
    %dma_start3A_285 = tpu.memref_slice %arg6[%dma_start3A_281, %dma_start3A_283, %dma_start3A_284] : memref<2x16x1024xf32, #tpu.memory_space<vmem>> -> memref<1x16x1024xf32, #tpu.memory_space<vmem>>
    %dma_start3A_286 = tpu.memref_squeeze %dma_start3A_285 : memref<1x16x1024xf32, #tpu.memory_space<vmem>> -> memref<16x1024xf32, #tpu.memory_space<vmem>>
    %dma_start3A_287 = arith.constant 0 : i32
    %dma_start3A_288 = tpu.memref_slice %arg3[%add3A_265, %dma_start3A_287] : memref<16384x1024xf32, #tpu.memory_space<hbm>> -> memref<16x1024xf32, #tpu.memory_space<hbm>>
    %dma_start3A_289 = tpu.memref_slice %arg11[%dma_start3A_282] : memref<2x!tpu.dma_semaphore, #tpu.memory_space<semaphore_mem>> -> memref<1x!tpu.dma_semaphore, #tpu.memory_space<semaphore_mem>>
    %dma_start3A_290 = tpu.memref_squeeze %dma_start3A_289 : memref<1x!tpu.dma_semaphore, #tpu.memory_space<semaphore_mem>> -> memref<!tpu.dma_semaphore, #tpu.memory_space<semaphore_mem>>
    %dma_start3A_291 = arith.constant 0 : i32
    %dma_start3A_292 = arith.constant 0 : i32
    %dma_start3A_293 = tpu.memref_slice %arg6[%dma_start3A_281, %dma_start3A_291, %dma_start3A_292] : memref<2x16x1024xf32, #tpu.memory_space<vmem>> -> memref<1x16x1024xf32, #tpu.memory_space<vmem>>
    %dma_start3A_294 = tpu.memref_squeeze %dma_start3A_293 : memref<1x16x1024xf32, #tpu.memory_space<vmem>> -> memref<16x1024xf32, #tpu.memory_space<vmem>>
    %dma_start3A_295 = arith.constant 0 : i32
    %dma_start3A_296 = tpu.memref_slice %arg3[%add3A_265, %dma_start3A_295] : memref<16384x1024xf32, #tpu.memory_space<hbm>> -> memref<16x1024xf32, #tpu.memory_space<hbm>>
    tpu.enqueue_dma source(%dma_start3A_296 : memref<16x1024xf32, #tpu.memory_space<hbm>>) target(%dma_start3A_294 : memref<16x1024xf32, #tpu.memory_space<vmem>>) target_semaphore(%dma_start3A_290 : memref<!tpu.dma_semaphore, #tpu.memory_space<semaphore_mem>>)
    %scan3A = arith.constant 0 : i32
    %scan3A_297 = arith.constant 16 : i32
    %scan3A_298 = arith.addi %scan3A, %scan3A_297 : i32
    %scan3A_299 = arith.constant 1 : i32
    scf.for %scan3A_693 = %scan3A to %scan3A_298 step %scan3A_299  : i32 {
      %mul3A_694 = arith.constant 2 : i32
      %mul3A_695 = arith.muli %scan3A_693, %mul3A_694 : i32
      %add3A_696 = arith.constant 0 : i32
      %add3A_697 = arith.addi %add3A_696, %mul3A_695 : i32
      %add3A_698 = arith.constant 0 : i32
      %add3A_699 = arith.addi %add3A_697, %add3A_698 : i32
      %add3A_700 = arith.constant 1 : i32
      %add3A_701 = arith.addi %add3A_699, %add3A_700 : i32
      %lt3A = arith.constant 32 : i32
      %lt3A_702 = arith.cmpi slt, %add3A_701, %lt3A : i32
      %convert_element_type3A = arith.extui %lt3A_702 : i1 to i32
      %cond3A = arith.constant 0 : i32
      %cond3A_703 = arith.cmpi ne, %convert_element_type3A, %cond3A : i32
      scf.if %cond3A_703 {
        %add3A_787 = arith.constant 1 : i32
        %add3A_788 = arith.addi %add3A_699, %add3A_787 : i32
        %mul3A_789 = arith.constant 16 : i32
        %mul3A_790 = arith.muli %add3A_788, %mul3A_789 : i32
        %add3A_791 = arith.addi %mul3A_2, %mul3A_790 : i32
        %dma_start3A_792 = arith.constant 1 : i32
        %dma_start3A_793 = arith.constant 1 : i32
        %dma_start3A_794 = arith.constant 0 : i32
        %dma_start3A_795 = arith.constant 0 : i32
        %dma_start3A_796 = tpu.memref_slice %arg5[%dma_start3A_792, %dma_start3A_794, %dma_start3A_795] : memref<2x16x1024xf32, #tpu.memory_space<vmem>> -> memref<1x16x1024xf32, #tpu.memory_space<vmem>>
        %dma_start3A_797 = tpu.memref_squeeze %dma_start3A_796 : memref<1x16x1024xf32, #tpu.memory_space<vmem>> -> memref<16x1024xf32, #tpu.memory_space<vmem>>
        %dma_start3A_798 = arith.constant 0 : i32
        %dma_start3A_799 = tpu.memref_slice %arg2[%add3A_791, %dma_start3A_798] : memref<16384x1024xf32, #tpu.memory_space<hbm>> -> memref<16x1024xf32, #tpu.memory_space<hbm>>
        %dma_start3A_800 = tpu.memref_slice %arg11[%dma_start3A_793] : memref<2x!tpu.dma_semaphore, #tpu.memory_space<semaphore_mem>> -> memref<1x!tpu.dma_semaphore, #tpu.memory_space<semaphore_mem>>
        %dma_start3A_801 = tpu.memref_squeeze %dma_start3A_800 : memref<1x!tpu.dma_semaphore, #tpu.memory_space<semaphore_mem>> -> memref<!tpu.dma_semaphore, #tpu.memory_space<semaphore_mem>>
        %dma_start3A_802 = arith.constant 0 : i32
        %dma_start3A_803 = arith.constant 0 : i32
        %dma_start3A_804 = tpu.memref_slice %arg5[%dma_start3A_792, %dma_start3A_802, %dma_start3A_803] : memref<2x16x1024xf32, #tpu.memory_space<vmem>> -> memref<1x16x1024xf32, #tpu.memory_space<vmem>>
        %dma_start3A_805 = tpu.memref_squeeze %dma_start3A_804 : memref<1x16x1024xf32, #tpu.memory_space<vmem>> -> memref<16x1024xf32, #tpu.memory_space<vmem>>
        %dma_start3A_806 = arith.constant 0 : i32
        %dma_start3A_807 = tpu.memref_slice %arg2[%add3A_791, %dma_start3A_806] : memref<16384x1024xf32, #tpu.memory_space<hbm>> -> memref<16x1024xf32, #tpu.memory_space<hbm>>
        tpu.enqueue_dma source(%dma_start3A_807 : memref<16x1024xf32, #tpu.memory_space<hbm>>) target(%dma_start3A_805 : memref<16x1024xf32, #tpu.memory_space<vmem>>) target_semaphore(%dma_start3A_801 : memref<!tpu.dma_semaphore, #tpu.memory_space<semaphore_mem>>)
        %dma_start3A_808 = arith.constant 1 : i32
        %dma_start3A_809 = arith.constant 1 : i32
        %dma_start3A_810 = arith.constant 0 : i32
        %dma_start3A_811 = arith.constant 0 : i32
        %dma_start3A_812 = tpu.memref_slice %arg6[%dma_start3A_808, %dma_start3A_810, %dma_start3A_811] : memref<2x16x1024xf32, #tpu.memory_space<vmem>> -> memref<1x16x1024xf32, #tpu.memory_space<vmem>>
        %dma_start3A_813 = tpu.memref_squeeze %dma_start3A_812 : memref<1x16x1024xf32, #tpu.memory_space<vmem>> -> memref<16x1024xf32, #tpu.memory_space<vmem>>
        %dma_start3A_814 = arith.constant 0 : i32
        %dma_start3A_815 = tpu.memref_slice %arg3[%add3A_791, %dma_start3A_814] : memref<16384x1024xf32, #tpu.memory_space<hbm>> -> memref<16x1024xf32, #tpu.memory_space<hbm>>
        %dma_start3A_816 = tpu.memref_slice %arg11[%dma_start3A_809] : memref<2x!tpu.dma_semaphore, #tpu.memory_space<semaphore_mem>> -> memref<1x!tpu.dma_semaphore, #tpu.memory_space<semaphore_mem>>
        %dma_start3A_817 = tpu.memref_squeeze %dma_start3A_816 : memref<1x!tpu.dma_semaphore, #tpu.memory_space<semaphore_mem>> -> memref<!tpu.dma_semaphore, #tpu.memory_space<semaphore_mem>>
        %dma_start3A_818 = arith.constant 0 : i32
        %dma_start3A_819 = arith.constant 0 : i32
        %dma_start3A_820 = tpu.memref_slice %arg6[%dma_start3A_808, %dma_start3A_818, %dma_start3A_819] : memref<2x16x1024xf32, #tpu.memory_space<vmem>> -> memref<1x16x1024xf32, #tpu.memory_space<vmem>>
        %dma_start3A_821 = tpu.memref_squeeze %dma_start3A_820 : memref<1x16x1024xf32, #tpu.memory_space<vmem>> -> memref<16x1024xf32, #tpu.memory_space<vmem>>
        %dma_start3A_822 = arith.constant 0 : i32
        %dma_start3A_823 = tpu.memref_slice %arg3[%add3A_791, %dma_start3A_822] : memref<16384x1024xf32, #tpu.memory_space<hbm>> -> memref<16x1024xf32, #tpu.memory_space<hbm>>
        tpu.enqueue_dma source(%dma_start3A_823 : memref<16x1024xf32, #tpu.memory_space<hbm>>) target(%dma_start3A_821 : memref<16x1024xf32, #tpu.memory_space<vmem>>) target_semaphore(%dma_start3A_817 : memref<!tpu.dma_semaphore, #tpu.memory_space<semaphore_mem>>)
      } else {
      }
      %mul3A_704 = arith.constant 16 : i32
      %mul3A_705 = arith.muli %add3A_699, %mul3A_704 : i32
      %add3A_706 = arith.addi %mul3A_2, %mul3A_705 : i32
      %dma_wait3A = arith.constant 0 : i32
      %dma_wait3A_707 = arith.constant 0 : i32
      %dma_wait3A_708 = arith.constant 0 : i32
      %dma_wait3A_709 = arith.constant 0 : i32
      %dma_wait3A_710 = tpu.memref_slice %arg5[%dma_wait3A, %dma_wait3A_708, %dma_wait3A_709] : memref<2x16x1024xf32, #tpu.memory_space<vmem>> -> memref<1x16x1024xf32, #tpu.memory_space<vmem>>
      %dma_wait3A_711 = tpu.memref_squeeze %dma_wait3A_710 : memref<1x16x1024xf32, #tpu.memory_space<vmem>> -> memref<16x1024xf32, #tpu.memory_space<vmem>>
      %dma_wait3A_712 = arith.constant 0 : i32
      %dma_wait3A_713 = tpu.memref_slice %arg2[%add3A_706, %dma_wait3A_712] : memref<16384x1024xf32, #tpu.memory_space<hbm>> -> memref<16x1024xf32, #tpu.memory_space<hbm>>
      %dma_wait3A_714 = tpu.memref_slice %arg11[%dma_wait3A_707] : memref<2x!tpu.dma_semaphore, #tpu.memory_space<semaphore_mem>> -> memref<1x!tpu.dma_semaphore, #tpu.memory_space<semaphore_mem>>
      %dma_wait3A_715 = tpu.memref_squeeze %dma_wait3A_714 : memref<1x!tpu.dma_semaphore, #tpu.memory_space<semaphore_mem>> -> memref<!tpu.dma_semaphore, #tpu.memory_space<semaphore_mem>>
      %dma_wait3A_716 = arith.constant 0 : i32
      %dma_wait3A_717 = arith.constant 0 : i32
      %dma_wait3A_718 = tpu.memref_slice %arg5[%dma_wait3A, %dma_wait3A_716, %dma_wait3A_717] : memref<2x16x1024xf32, #tpu.memory_space<vmem>> -> memref<1x16x1024xf32, #tpu.memory_space<vmem>>
      %dma_wait3A_719 = tpu.memref_squeeze %dma_wait3A_718 : memref<1x16x1024xf32, #tpu.memory_space<vmem>> -> memref<16x1024xf32, #tpu.memory_space<vmem>>
      %dma_wait3A_720 = arith.constant 0 : i32
      %dma_wait3A_721 = tpu.memref_slice %arg2[%add3A_706, %dma_wait3A_720] : memref<16384x1024xf32, #tpu.memory_space<hbm>> -> memref<16x1024xf32, #tpu.memory_space<hbm>>
      tpu.wait_dma2 semaphore(%dma_wait3A_715 : memref<!tpu.dma_semaphore, #tpu.memory_space<semaphore_mem>>) src(%dma_wait3A_721 : memref<16x1024xf32, #tpu.memory_space<hbm>>) dst(%dma_wait3A_719 : memref<16x1024xf32, #tpu.memory_space<vmem>>)
      %dma_wait3A_722 = arith.constant 0 : i32
      %dma_wait3A_723 = arith.constant 0 : i32
      %dma_wait3A_724 = arith.constant 0 : i32
      %dma_wait3A_725 = arith.constant 0 : i32
      %dma_wait3A_726 = tpu.memref_slice %arg6[%dma_wait3A_722, %dma_wait3A_724, %dma_wait3A_725] : memref<2x16x1024xf32, #tpu.memory_space<vmem>> -> memref<1x16x1024xf32, #tpu.memory_space<vmem>>
      %dma_wait3A_727 = tpu.memref_squeeze %dma_wait3A_726 : memref<1x16x1024xf32, #tpu.memory_space<vmem>> -> memref<16x1024xf32, #tpu.memory_space<vmem>>
      %dma_wait3A_728 = arith.constant 0 : i32
      %dma_wait3A_729 = tpu.memref_slice %arg3[%add3A_706, %dma_wait3A_728] : memref<16384x1024xf32, #tpu.memory_space<hbm>> -> memref<16x1024xf32, #tpu.memory_space<hbm>>
      %dma_wait3A_730 = tpu.memref_slice %arg11[%dma_wait3A_723] : memref<2x!tpu.dma_semaphore, #tpu.memory_space<semaphore_mem>> -> memref<1x!tpu.dma_semaphore, #tpu.memory_space<semaphore_mem>>
      %dma_wait3A_731 = tpu.memref_squeeze %dma_wait3A_730 : memref<1x!tpu.dma_semaphore, #tpu.memory_space<semaphore_mem>> -> memref<!tpu.dma_semaphore, #tpu.memory_space<semaphore_mem>>
      %dma_wait3A_732 = arith.constant 0 : i32
      %dma_wait3A_733 = arith.constant 0 : i32
      %dma_wait3A_734 = tpu.memref_slice %arg6[%dma_wait3A_722, %dma_wait3A_732, %dma_wait3A_733] : memref<2x16x1024xf32, #tpu.memory_space<vmem>> -> memref<1x16x1024xf32, #tpu.memory_space<vmem>>
      %dma_wait3A_735 = tpu.memref_squeeze %dma_wait3A_734 : memref<1x16x1024xf32, #tpu.memory_space<vmem>> -> memref<16x1024xf32, #tpu.memory_space<vmem>>
      %dma_wait3A_736 = arith.constant 0 : i32
      %dma_wait3A_737 = tpu.memref_slice %arg3[%add3A_706, %dma_wait3A_736] : memref<16384x1024xf32, #tpu.memory_space<hbm>> -> memref<16x1024xf32, #tpu.memory_space<hbm>>
      tpu.wait_dma2 semaphore(%dma_wait3A_731 : memref<!tpu.dma_semaphore, #tpu.memory_space<semaphore_mem>>) src(%dma_wait3A_737 : memref<16x1024xf32, #tpu.memory_space<hbm>>) dst(%dma_wait3A_735 : memref<16x1024xf32, #tpu.memory_space<vmem>>)
      %parallel_loop3A = arith.constant 0 : i32
      %parallel_loop3A_738 = arith.constant 16384 : i32
      %parallel_loop3A_739 = arith.constant 16 : i32
      scf.for %parallel_loop3A_787 = %parallel_loop3A to %parallel_loop3A_738 step %parallel_loop3A_739  : i32 {
        %parallel_loop3A_788 = arith.constant 10 : i32
        %parallel_loop3A_789 = arith.shrui %parallel_loop3A_787, %parallel_loop3A_788 : i32
        %parallel_loop3A_790 = arith.constant 1023 : i32
        %parallel_loop3A_791 = arith.andi %parallel_loop3A_787, %parallel_loop3A_790 : i32
        %parallel_loop3A_792 = arith.constant 0 : i32
        %parallel_loop3A_793 = arith.index_cast %parallel_loop3A_792 : i32 to index
        %parallel_loop3A_794 = arith.index_cast %parallel_loop3A_789 : i32 to index
        %parallel_loop3A_795 = arith.index_cast %parallel_loop3A_791 : i32 to index
        %parallel_loop3A_796 = tpu.vector_load %arg5[%parallel_loop3A_793, %parallel_loop3A_794, %parallel_loop3A_795] {strides = array<i32>} : memref<2x16x1024xf32, #tpu.memory_space<vmem>>, vector<16xf32>,
        %parallel_loop3A_797 = arith.constant 0 : i32
        %parallel_loop3A_798 = arith.index_cast %parallel_loop3A_797 : i32 to index
        %parallel_loop3A_799 = arith.index_cast %parallel_loop3A_789 : i32 to index
        %parallel_loop3A_800 = arith.index_cast %parallel_loop3A_791 : i32 to index
        %parallel_loop3A_801 = tpu.vector_load %arg6[%parallel_loop3A_798, %parallel_loop3A_799, %parallel_loop3A_800] {strides = array<i32>} : memref<2x16x1024xf32, #tpu.memory_space<vmem>>, vector<16xf32>,
        %parallel_loop3A_802 = arith.subf %parallel_loop3A_796, %parallel_loop3A_801 : vector<16xf32>
        %parallel_loop3A_803 = arith.mulf %parallel_loop3A_802, %parallel_loop3A_802 : vector<16xf32>
        %parallel_loop3A_804 = arith.mulf %parallel_loop3A_803, %parallel_loop3A_803 : vector<16xf32>
        %parallel_loop3A_805 = arith.constant 1.000000e+00 : f32
        %parallel_loop3A_806 = vector.broadcast %parallel_loop3A_805 : f32 to vector<16xf32>
        %parallel_loop3A_807 = arith.addf %parallel_loop3A_801, %parallel_loop3A_806 : vector<16xf32>
        %parallel_loop3A_808 = tpu.bitcast %parallel_loop3A_807 : vector<16xf32> -> vector<16xi32>
        %parallel_loop3A_809 = arith.constant 17 : i32
        %parallel_loop3A_810 = vector.broadcast %parallel_loop3A_809 : i32 to vector<16xi32>
        %parallel_loop3A_811 = arith.shrui %parallel_loop3A_808, %parallel_loop3A_810 : vector<16xi32>
        %parallel_loop3A_812 = arith.constant 63 : i32
        %parallel_loop3A_813 = vector.broadcast %parallel_loop3A_812 : i32 to vector<16xi32>
        %parallel_loop3A_814 = arith.andi %parallel_loop3A_811, %parallel_loop3A_813 : vector<16xi32>
        %parallel_loop3A_815 = arith.addi %parallel_loop3A_814, %mul3A_263 : vector<16xi32>
        tpu.vector_store_idx %arg7[%parallel_loop3A_815], %parallel_loop3A_804 {add = true} : memref<1024xf32, #tpu.memory_space<vmem>>[vector<16xi32>], vector<16xf32>,
        tpu.vector_store_idx %arg8[%parallel_loop3A_815], %broadcast_in_dim3A_260 {add = true} : memref<1024xf32, #tpu.memory_space<vmem>>[vector<16xi32>], vector<16xf32>,
      } {sc.loop_unroll_factor = 8 : i64, sc.parallel_access}
      %add3A_740 = arith.constant 1 : i32
      %add3A_741 = arith.addi %add3A_697, %add3A_740 : i32
      %add3A_742 = arith.constant 1 : i32
      %add3A_743 = arith.addi %add3A_741, %add3A_742 : i32
      %lt3A_744 = arith.constant 32 : i32
      %lt3A_745 = arith.cmpi slt, %add3A_743, %lt3A_744 : i32
      %convert_element_type3A_746 = arith.extui %lt3A_745 : i1 to i32
      %cond3A_747 = arith.constant 0 : i32
      %cond3A_748 = arith.cmpi ne, %convert_element_type3A_746, %cond3A_747 : i32
      scf.if %cond3A_748 {
        %add3A_787 = arith.constant 1 : i32
        %add3A_788 = arith.addi %add3A_741, %add3A_787 : i32
        %mul3A_789 = arith.constant 16 : i32
        %mul3A_790 = arith.muli %add3A_788, %mul3A_789 : i32
        %add3A_791 = arith.addi %mul3A_2, %mul3A_790 : i32
        %dma_start3A_792 = arith.constant 0 : i32
        %dma_start3A_793 = arith.constant 0 : i32
        %dma_start3A_794 = arith.constant 0 : i32
        %dma_start3A_795 = arith.constant 0 : i32
        %dma_start3A_796 = tpu.memref_slice %arg5[%dma_start3A_792, %dma_start3A_794, %dma_start3A_795] : memref<2x16x1024xf32, #tpu.memory_space<vmem>> -> memref<1x16x1024xf32, #tpu.memory_space<vmem>>
        %dma_start3A_797 = tpu.memref_squeeze %dma_start3A_796 : memref<1x16x1024xf32, #tpu.memory_space<vmem>> -> memref<16x1024xf32, #tpu.memory_space<vmem>>
        %dma_start3A_798 = arith.constant 0 : i32
        %dma_start3A_799 = tpu.memref_slice %arg2[%add3A_791, %dma_start3A_798] : memref<16384x1024xf32, #tpu.memory_space<hbm>> -> memref<16x1024xf32, #tpu.memory_space<hbm>>
        %dma_start3A_800 = tpu.memref_slice %arg11[%dma_start3A_793] : memref<2x!tpu.dma_semaphore, #tpu.memory_space<semaphore_mem>> -> memref<1x!tpu.dma_semaphore, #tpu.memory_space<semaphore_mem>>
        %dma_start3A_801 = tpu.memref_squeeze %dma_start3A_800 : memref<1x!tpu.dma_semaphore, #tpu.memory_space<semaphore_mem>> -> memref<!tpu.dma_semaphore, #tpu.memory_space<semaphore_mem>>
        %dma_start3A_802 = arith.constant 0 : i32
        %dma_start3A_803 = arith.constant 0 : i32
        %dma_start3A_804 = tpu.memref_slice %arg5[%dma_start3A_792, %dma_start3A_802, %dma_start3A_803] : memref<2x16x1024xf32, #tpu.memory_space<vmem>> -> memref<1x16x1024xf32, #tpu.memory_space<vmem>>
        %dma_start3A_805 = tpu.memref_squeeze %dma_start3A_804 : memref<1x16x1024xf32, #tpu.memory_space<vmem>> -> memref<16x1024xf32, #tpu.memory_space<vmem>>
        %dma_start3A_806 = arith.constant 0 : i32
        %dma_start3A_807 = tpu.memref_slice %arg2[%add3A_791, %dma_start3A_806] : memref<16384x1024xf32, #tpu.memory_space<hbm>> -> memref<16x1024xf32, #tpu.memory_space<hbm>>
        tpu.enqueue_dma source(%dma_start3A_807 : memref<16x1024xf32, #tpu.memory_space<hbm>>) target(%dma_start3A_805 : memref<16x1024xf32, #tpu.memory_space<vmem>>) target_semaphore(%dma_start3A_801 : memref<!tpu.dma_semaphore, #tpu.memory_space<semaphore_mem>>)
        %dma_start3A_808 = arith.constant 0 : i32
        %dma_start3A_809 = arith.constant 0 : i32
        %dma_start3A_810 = arith.constant 0 : i32
        %dma_start3A_811 = arith.constant 0 : i32
        %dma_start3A_812 = tpu.memref_slice %arg6[%dma_start3A_808, %dma_start3A_810, %dma_start3A_811] : memref<2x16x1024xf32, #tpu.memory_space<vmem>> -> memref<1x16x1024xf32, #tpu.memory_space<vmem>>
        %dma_start3A_813 = tpu.memref_squeeze %dma_start3A_812 : memref<1x16x1024xf32, #tpu.memory_space<vmem>> -> memref<16x1024xf32, #tpu.memory_space<vmem>>
        %dma_start3A_814 = arith.constant 0 : i32
        %dma_start3A_815 = tpu.memref_slice %arg3[%add3A_791, %dma_start3A_814] : memref<16384x1024xf32, #tpu.memory_space<hbm>> -> memref<16x1024xf32, #tpu.memory_space<hbm>>
        %dma_start3A_816 = tpu.memref_slice %arg11[%dma_start3A_809] : memref<2x!tpu.dma_semaphore, #tpu.memory_space<semaphore_mem>> -> memref<1x!tpu.dma_semaphore, #tpu.memory_space<semaphore_mem>>
        %dma_start3A_817 = tpu.memref_squeeze %dma_start3A_816 : memref<1x!tpu.dma_semaphore, #tpu.memory_space<semaphore_mem>> -> memref<!tpu.dma_semaphore, #tpu.memory_space<semaphore_mem>>
        %dma_start3A_818 = arith.constant 0 : i32
        %dma_start3A_819 = arith.constant 0 : i32
        %dma_start3A_820 = tpu.memref_slice %arg6[%dma_start3A_808, %dma_start3A_818, %dma_start3A_819] : memref<2x16x1024xf32, #tpu.memory_space<vmem>> -> memref<1x16x1024xf32, #tpu.memory_space<vmem>>
        %dma_start3A_821 = tpu.memref_squeeze %dma_start3A_820 : memref<1x16x1024xf32, #tpu.memory_space<vmem>> -> memref<16x1024xf32, #tpu.memory_space<vmem>>
        %dma_start3A_822 = arith.constant 0 : i32
        %dma_start3A_823 = tpu.memref_slice %arg3[%add3A_791, %dma_start3A_822] : memref<16384x1024xf32, #tpu.memory_space<hbm>> -> memref<16x1024xf32, #tpu.memory_space<hbm>>
        tpu.enqueue_dma source(%dma_start3A_823 : memref<16x1024xf32, #tpu.memory_space<hbm>>) target(%dma_start3A_821 : memref<16x1024xf32, #tpu.memory_space<vmem>>) target_semaphore(%dma_start3A_817 : memref<!tpu.dma_semaphore, #tpu.memory_space<semaphore_mem>>)
      } else {
      }
      %mul3A_749 = arith.constant 16 : i32
      %mul3A_750 = arith.muli %add3A_741, %mul3A_749 : i32
      %add3A_751 = arith.addi %mul3A_2, %mul3A_750 : i32
      %dma_wait3A_752 = arith.constant 1 : i32
      %dma_wait3A_753 = arith.constant 1 : i32
      %dma_wait3A_754 = arith.constant 0 : i32
      %dma_wait3A_755 = arith.constant 0 : i32
      %dma_wait3A_756 = tpu.memref_slice %arg5[%dma_wait3A_752, %dma_wait3A_754, %dma_wait3A_755] : memref<2x16x1024xf32, #tpu.memory_space<vmem>> -> memref<1x16x1024xf32, #tpu.memory_space<vmem>>
      %dma_wait3A_757 = tpu.memref_squeeze %dma_wait3A_756 : memref<1x16x1024xf32, #tpu.memory_space<vmem>> -> memref<16x1024xf32, #tpu.memory_space<vmem>>
      %dma_wait3A_758 = arith.constant 0 : i32
      %dma_wait3A_759 = tpu.memref_slice %arg2[%add3A_751, %dma_wait3A_758] : memref<16384x1024xf32, #tpu.memory_space<hbm>> -> memref<16x1024xf32, #tpu.memory_space<hbm>>
      %dma_wait3A_760 = tpu.memref_slice %arg11[%dma_wait3A_753] : memref<2x!tpu.dma_semaphore, #tpu.memory_space<semaphore_mem>> -> memref<1x!tpu.dma_semaphore, #tpu.memory_space<semaphore_mem>>
      %dma_wait3A_761 = tpu.memref_squeeze %dma_wait3A_760 : memref<1x!tpu.dma_semaphore, #tpu.memory_space<semaphore_mem>> -> memref<!tpu.dma_semaphore, #tpu.memory_space<semaphore_mem>>
      %dma_wait3A_762 = arith.constant 0 : i32
      %dma_wait3A_763 = arith.constant 0 : i32
      %dma_wait3A_764 = tpu.memref_slice %arg5[%dma_wait3A_752, %dma_wait3A_762, %dma_wait3A_763] : memref<2x16x1024xf32, #tpu.memory_space<vmem>> -> memref<1x16x1024xf32, #tpu.memory_space<vmem>>
      %dma_wait3A_765 = tpu.memref_squeeze %dma_wait3A_764 : memref<1x16x1024xf32, #tpu.memory_space<vmem>> -> memref<16x1024xf32, #tpu.memory_space<vmem>>
      %dma_wait3A_766 = arith.constant 0 : i32
      %dma_wait3A_767 = tpu.memref_slice %arg2[%add3A_751, %dma_wait3A_766] : memref<16384x1024xf32, #tpu.memory_space<hbm>> -> memref<16x1024xf32, #tpu.memory_space<hbm>>
      tpu.wait_dma2 semaphore(%dma_wait3A_761 : memref<!tpu.dma_semaphore, #tpu.memory_space<semaphore_mem>>) src(%dma_wait3A_767 : memref<16x1024xf32, #tpu.memory_space<hbm>>) dst(%dma_wait3A_765 : memref<16x1024xf32, #tpu.memory_space<vmem>>)
      %dma_wait3A_768 = arith.constant 1 : i32
      %dma_wait3A_769 = arith.constant 1 : i32
      %dma_wait3A_770 = arith.constant 0 : i32
      %dma_wait3A_771 = arith.constant 0 : i32
      %dma_wait3A_772 = tpu.memref_slice %arg6[%dma_wait3A_768, %dma_wait3A_770, %dma_wait3A_771] : memref<2x16x1024xf32, #tpu.memory_space<vmem>> -> memref<1x16x1024xf32, #tpu.memory_space<vmem>>
      %dma_wait3A_773 = tpu.memref_squeeze %dma_wait3A_772 : memref<1x16x1024xf32, #tpu.memory_space<vmem>> -> memref<16x1024xf32, #tpu.memory_space<vmem>>
      %dma_wait3A_774 = arith.constant 0 : i32
      %dma_wait3A_775 = tpu.memref_slice %arg3[%add3A_751, %dma_wait3A_774] : memref<16384x1024xf32, #tpu.memory_space<hbm>> -> memref<16x1024xf32, #tpu.memory_space<hbm>>
      %dma_wait3A_776 = tpu.memref_slice %arg11[%dma_wait3A_769] : memref<2x!tpu.dma_semaphore, #tpu.memory_space<semaphore_mem>> -> memref<1x!tpu.dma_semaphore, #tpu.memory_space<semaphore_mem>>
      %dma_wait3A_777 = tpu.memref_squeeze %dma_wait3A_776 : memref<1x!tpu.dma_semaphore, #tpu.memory_space<semaphore_mem>> -> memref<!tpu.dma_semaphore, #tpu.memory_space<semaphore_mem>>
      %dma_wait3A_778 = arith.constant 0 : i32
      %dma_wait3A_779 = arith.constant 0 : i32
      %dma_wait3A_780 = tpu.memref_slice %arg6[%dma_wait3A_768, %dma_wait3A_778, %dma_wait3A_779] : memref<2x16x1024xf32, #tpu.memory_space<vmem>> -> memref<1x16x1024xf32, #tpu.memory_space<vmem>>
      %dma_wait3A_781 = tpu.memref_squeeze %dma_wait3A_780 : memref<1x16x1024xf32, #tpu.memory_space<vmem>> -> memref<16x1024xf32, #tpu.memory_space<vmem>>
      %dma_wait3A_782 = arith.constant 0 : i32
      %dma_wait3A_783 = tpu.memref_slice %arg3[%add3A_751, %dma_wait3A_782] : memref<16384x1024xf32, #tpu.memory_space<hbm>> -> memref<16x1024xf32, #tpu.memory_space<hbm>>
      tpu.wait_dma2 semaphore(%dma_wait3A_777 : memref<!tpu.dma_semaphore, #tpu.memory_space<semaphore_mem>>) src(%dma_wait3A_783 : memref<16x1024xf32, #tpu.memory_space<hbm>>) dst(%dma_wait3A_781 : memref<16x1024xf32, #tpu.memory_space<vmem>>)
      %parallel_loop3A_784 = arith.constant 0 : i32
      %parallel_loop3A_785 = arith.constant 16384 : i32
      %parallel_loop3A_786 = arith.constant 16 : i32
      scf.for %parallel_loop3A_787 = %parallel_loop3A_784 to %parallel_loop3A_785 step %parallel_loop3A_786  : i32 {
        %parallel_loop3A_788 = arith.constant 10 : i32
        %parallel_loop3A_789 = arith.shrui %parallel_loop3A_787, %parallel_loop3A_788 : i32
        %parallel_loop3A_790 = arith.constant 1023 : i32
        %parallel_loop3A_791 = arith.andi %parallel_loop3A_787, %parallel_loop3A_790 : i32
        %parallel_loop3A_792 = arith.constant 1 : i32
        %parallel_loop3A_793 = arith.index_cast %parallel_loop3A_792 : i32 to index
        %parallel_loop3A_794 = arith.index_cast %parallel_loop3A_789 : i32 to index
        %parallel_loop3A_795 = arith.index_cast %parallel_loop3A_791 : i32 to index
        %parallel_loop3A_796 = tpu.vector_load %arg5[%parallel_loop3A_793, %parallel_loop3A_794, %parallel_loop3A_795] {strides = array<i32>} : memref<2x16x1024xf32, #tpu.memory_space<vmem>>, vector<16xf32>,
        %parallel_loop3A_797 = arith.constant 1 : i32
        %parallel_loop3A_798 = arith.index_cast %parallel_loop3A_797 : i32 to index
        %parallel_loop3A_799 = arith.index_cast %parallel_loop3A_789 : i32 to index
        %parallel_loop3A_800 = arith.index_cast %parallel_loop3A_791 : i32 to index
        %parallel_loop3A_801 = tpu.vector_load %arg6[%parallel_loop3A_798, %parallel_loop3A_799, %parallel_loop3A_800] {strides = array<i32>} : memref<2x16x1024xf32, #tpu.memory_space<vmem>>, vector<16xf32>,
        %parallel_loop3A_802 = arith.subf %parallel_loop3A_796, %parallel_loop3A_801 : vector<16xf32>
        %parallel_loop3A_803 = arith.mulf %parallel_loop3A_802, %parallel_loop3A_802 : vector<16xf32>
        %parallel_loop3A_804 = arith.mulf %parallel_loop3A_803, %parallel_loop3A_803 : vector<16xf32>
        %parallel_loop3A_805 = arith.constant 1.000000e+00 : f32
        %parallel_loop3A_806 = vector.broadcast %parallel_loop3A_805 : f32 to vector<16xf32>
        %parallel_loop3A_807 = arith.addf %parallel_loop3A_801, %parallel_loop3A_806 : vector<16xf32>
        %parallel_loop3A_808 = tpu.bitcast %parallel_loop3A_807 : vector<16xf32> -> vector<16xi32>
        %parallel_loop3A_809 = arith.constant 17 : i32
        %parallel_loop3A_810 = vector.broadcast %parallel_loop3A_809 : i32 to vector<16xi32>
        %parallel_loop3A_811 = arith.shrui %parallel_loop3A_808, %parallel_loop3A_810 : vector<16xi32>
        %parallel_loop3A_812 = arith.constant 63 : i32
        %parallel_loop3A_813 = vector.broadcast %parallel_loop3A_812 : i32 to vector<16xi32>
        %parallel_loop3A_814 = arith.andi %parallel_loop3A_811, %parallel_loop3A_813 : vector<16xi32>
        %parallel_loop3A_815 = arith.addi %parallel_loop3A_814, %mul3A_263 : vector<16xi32>
        tpu.vector_store_idx %arg7[%parallel_loop3A_815], %parallel_loop3A_804 {add = true} : memref<1024xf32, #tpu.memory_space<vmem>>[vector<16xi32>], vector<16xf32>,
        tpu.vector_store_idx %arg8[%parallel_loop3A_815], %broadcast_in_dim3A_260 {add = true} : memref<1024xf32, #tpu.memory_space<vmem>>[vector<16xi32>], vector<16xf32>,
      } {sc.loop_unroll_factor = 8 : i64, sc.parallel_access}
    }
    %scan3A_300 = arith.constant 16 : i32
    %get3A = arith.constant 0 : index
    %get3A_301 = tpu.vector_load %arg7[%get3A] {strides = array<i32>} : memref<1024xf32, #tpu.memory_space<vmem>>, vector<16xf32>,
    %get3A_302 = arith.constant 0 : index
    %get3A_303 = tpu.vector_load %arg8[%get3A_302] {strides = array<i32>} : memref<1024xf32, #tpu.memory_space<vmem>>, vector<16xf32>,
    %get3A_304 = arith.constant 64 : index
    %get3A_305 = tpu.vector_load %arg7[%get3A_304] {strides = array<i32>} : memref<1024xf32, #tpu.memory_space<vmem>>, vector<16xf32>,
    %add3A_306 = arith.addf %get3A_301, %get3A_305 : vector<16xf32>
    %get3A_307 = arith.constant 64 : index
    %get3A_308 = tpu.vector_load %arg8[%get3A_307] {strides = array<i32>} : memref<1024xf32, #tpu.memory_space<vmem>>, vector<16xf32>,
    %add3A_309 = arith.addf %get3A_303, %get3A_308 : vector<16xf32>
    %get3A_310 = arith.constant 128 : index
    %get3A_311 = tpu.vector_load %arg7[%get3A_310] {strides = array<i32>} : memref<1024xf32, #tpu.memory_space<vmem>>, vector<16xf32>,
    %add3A_312 = arith.addf %add3A_306, %get3A_311 : vector<16xf32>
    %get3A_313 = arith.constant 128 : index
    %get3A_314 = tpu.vector_load %arg8[%get3A_313] {strides = array<i32>} : memref<1024xf32, #tpu.memory_space<vmem>>, vector<16xf32>,
    %add3A_315 = arith.addf %add3A_309, %get3A_314 : vector<16xf32>
    %get3A_316 = arith.constant 192 : index
    %get3A_317 = tpu.vector_load %arg7[%get3A_316] {strides = array<i32>} : memref<1024xf32, #tpu.memory_space<vmem>>, vector<16xf32>,
    %add3A_318 = arith.addf %add3A_312, %get3A_317 : vector<16xf32>
    %get3A_319 = arith.constant 192 : index
    %get3A_320 = tpu.vector_load %arg8[%get3A_319] {strides = array<i32>} : memref<1024xf32, #tpu.memory_space<vmem>>, vector<16xf32>,
    %add3A_321 = arith.addf %add3A_315, %get3A_320 : vector<16xf32>
    %get3A_322 = arith.constant 256 : index
    %get3A_323 = tpu.vector_load %arg7[%get3A_322] {strides = array<i32>} : memref<1024xf32, #tpu.memory_space<vmem>>, vector<16xf32>,
    %add3A_324 = arith.addf %add3A_318, %get3A_323 : vector<16xf32>
    %get3A_325 = arith.constant 256 : index
    %get3A_326 = tpu.vector_load %arg8[%get3A_325] {strides = array<i32>} : memref<1024xf32, #tpu.memory_space<vmem>>, vector<16xf32>,
    %add3A_327 = arith.addf %add3A_321, %get3A_326 : vector<16xf32>
    %get3A_328 = arith.constant 320 : index
    %get3A_329 = tpu.vector_load %arg7[%get3A_328] {strides = array<i32>} : memref<1024xf32, #tpu.memory_space<vmem>>, vector<16xf32>,
    %add3A_330 = arith.addf %add3A_324, %get3A_329 : vector<16xf32>
    %get3A_331 = arith.constant 320 : index
    %get3A_332 = tpu.vector_load %arg8[%get3A_331] {strides = array<i32>} : memref<1024xf32, #tpu.memory_space<vmem>>, vector<16xf32>,
    %add3A_333 = arith.addf %add3A_327, %get3A_332 : vector<16xf32>
    %get3A_334 = arith.constant 384 : index
    %get3A_335 = tpu.vector_load %arg7[%get3A_334] {strides = array<i32>} : memref<1024xf32, #tpu.memory_space<vmem>>, vector<16xf32>,
    %add3A_336 = arith.addf %add3A_330, %get3A_335 : vector<16xf32>
    %get3A_337 = arith.constant 384 : index
    %get3A_338 = tpu.vector_load %arg8[%get3A_337] {strides = array<i32>} : memref<1024xf32, #tpu.memory_space<vmem>>, vector<16xf32>,
    %add3A_339 = arith.addf %add3A_333, %get3A_338 : vector<16xf32>
    %get3A_340 = arith.constant 448 : index
    %get3A_341 = tpu.vector_load %arg7[%get3A_340] {strides = array<i32>} : memref<1024xf32, #tpu.memory_space<vmem>>, vector<16xf32>,
    %add3A_342 = arith.addf %add3A_336, %get3A_341 : vector<16xf32>
    %get3A_343 = arith.constant 448 : index
    %get3A_344 = tpu.vector_load %arg8[%get3A_343] {strides = array<i32>} : memref<1024xf32, #tpu.memory_space<vmem>>, vector<16xf32>,
    %add3A_345 = arith.addf %add3A_339, %get3A_344 : vector<16xf32>
    %get3A_346 = arith.constant 512 : index
    %get3A_347 = tpu.vector_load %arg7[%get3A_346] {strides = array<i32>} : memref<1024xf32, #tpu.memory_space<vmem>>, vector<16xf32>,
    %add3A_348 = arith.addf %add3A_342, %get3A_347 : vector<16xf32>
    %get3A_349 = arith.constant 512 : index
    %get3A_350 = tpu.vector_load %arg8[%get3A_349] {strides = array<i32>} : memref<1024xf32, #tpu.memory_space<vmem>>, vector<16xf32>,
    %add3A_351 = arith.addf %add3A_345, %get3A_350 : vector<16xf32>
    %get3A_352 = arith.constant 576 : index
    %get3A_353 = tpu.vector_load %arg7[%get3A_352] {strides = array<i32>} : memref<1024xf32, #tpu.memory_space<vmem>>, vector<16xf32>,
    %add3A_354 = arith.addf %add3A_348, %get3A_353 : vector<16xf32>
    %get3A_355 = arith.constant 576 : index
    %get3A_356 = tpu.vector_load %arg8[%get3A_355] {strides = array<i32>} : memref<1024xf32, #tpu.memory_space<vmem>>, vector<16xf32>,
    %add3A_357 = arith.addf %add3A_351, %get3A_356 : vector<16xf32>
    %get3A_358 = arith.constant 640 : index
    %get3A_359 = tpu.vector_load %arg7[%get3A_358] {strides = array<i32>} : memref<1024xf32, #tpu.memory_space<vmem>>, vector<16xf32>,
    %add3A_360 = arith.addf %add3A_354, %get3A_359 : vector<16xf32>
    %get3A_361 = arith.constant 640 : index
    %get3A_362 = tpu.vector_load %arg8[%get3A_361] {strides = array<i32>} : memref<1024xf32, #tpu.memory_space<vmem>>, vector<16xf32>,
    %add3A_363 = arith.addf %add3A_357, %get3A_362 : vector<16xf32>
    %get3A_364 = arith.constant 704 : index
    %get3A_365 = tpu.vector_load %arg7[%get3A_364] {strides = array<i32>} : memref<1024xf32, #tpu.memory_space<vmem>>, vector<16xf32>,
    %add3A_366 = arith.addf %add3A_360, %get3A_365 : vector<16xf32>
    %get3A_367 = arith.constant 704 : index
    %get3A_368 = tpu.vector_load %arg8[%get3A_367] {strides = array<i32>} : memref<1024xf32, #tpu.memory_space<vmem>>, vector<16xf32>,
    %add3A_369 = arith.addf %add3A_363, %get3A_368 : vector<16xf32>
    %get3A_370 = arith.constant 768 : index
    %get3A_371 = tpu.vector_load %arg7[%get3A_370] {strides = array<i32>} : memref<1024xf32, #tpu.memory_space<vmem>>, vector<16xf32>,
    %add3A_372 = arith.addf %add3A_366, %get3A_371 : vector<16xf32>
    %get3A_373 = arith.constant 768 : index
    %get3A_374 = tpu.vector_load %arg8[%get3A_373] {strides = array<i32>} : memref<1024xf32, #tpu.memory_space<vmem>>, vector<16xf32>,
    %add3A_375 = arith.addf %add3A_369, %get3A_374 : vector<16xf32>
    %get3A_376 = arith.constant 832 : index
    %get3A_377 = tpu.vector_load %arg7[%get3A_376] {strides = array<i32>} : memref<1024xf32, #tpu.memory_space<vmem>>, vector<16xf32>,
    %add3A_378 = arith.addf %add3A_372, %get3A_377 : vector<16xf32>
    %get3A_379 = arith.constant 832 : index
    %get3A_380 = tpu.vector_load %arg8[%get3A_379] {strides = array<i32>} : memref<1024xf32, #tpu.memory_space<vmem>>, vector<16xf32>,
    %add3A_381 = arith.addf %add3A_375, %get3A_380 : vector<16xf32>
    %get3A_382 = arith.constant 896 : index
    %get3A_383 = tpu.vector_load %arg7[%get3A_382] {strides = array<i32>} : memref<1024xf32, #tpu.memory_space<vmem>>, vector<16xf32>,
    %add3A_384 = arith.addf %add3A_378, %get3A_383 : vector<16xf32>
    %get3A_385 = arith.constant 896 : index
    %get3A_386 = tpu.vector_load %arg8[%get3A_385] {strides = array<i32>} : memref<1024xf32, #tpu.memory_space<vmem>>, vector<16xf32>,
    %add3A_387 = arith.addf %add3A_381, %get3A_386 : vector<16xf32>
    %get3A_388 = arith.constant 960 : index
    %get3A_389 = tpu.vector_load %arg7[%get3A_388] {strides = array<i32>} : memref<1024xf32, #tpu.memory_space<vmem>>, vector<16xf32>,
    %add3A_390 = arith.addf %add3A_384, %get3A_389 : vector<16xf32>
    %get3A_391 = arith.constant 960 : index
    %get3A_392 = tpu.vector_load %arg8[%get3A_391] {strides = array<i32>} : memref<1024xf32, #tpu.memory_space<vmem>>, vector<16xf32>,
    %add3A_393 = arith.addf %add3A_387, %get3A_392 : vector<16xf32>
    %swap3A_394 = arith.constant 0 : index
    %swap3A_395 = tpu.vector_load %arg9[%swap3A_394] {strides = array<i32>} : memref<64xf32, #tpu.memory_space<vmem>>, vector<16xf32>,
    tpu.vector_store %arg9[%swap3A_394], %add3A_390 {strides = array<i32>} : memref<64xf32, #tpu.memory_space<vmem>>, vector<16xf32>,
    %swap3A_396 = arith.constant 0 : index
    %swap3A_397 = tpu.vector_load %arg10[%swap3A_396] {strides = array<i32>} : memref<64xf32, #tpu.memory_space<vmem>>, vector<16xf32>,
    tpu.vector_store %arg10[%swap3A_396], %add3A_393 {strides = array<i32>} : memref<64xf32, #tpu.memory_space<vmem>>, vector<16xf32>,
    %get3A_398 = arith.constant 16 : index
    %get3A_399 = tpu.vector_load %arg7[%get3A_398] {strides = array<i32>} : memref<1024xf32, #tpu.memory_space<vmem>>, vector<16xf32>,
    %get3A_400 = arith.constant 16 : index
    %get3A_401 = tpu.vector_load %arg8[%get3A_400] {strides = array<i32>} : memref<1024xf32, #tpu.memory_space<vmem>>, vector<16xf32>,
    %get3A_402 = arith.constant 80 : index
    %get3A_403 = tpu.vector_load %arg7[%get3A_402] {strides = array<i32>} : memref<1024xf32, #tpu.memory_space<vmem>>, vector<16xf32>,
    %add3A_404 = arith.addf %get3A_399, %get3A_403 : vector<16xf32>
    %get3A_405 = arith.constant 80 : index
    %get3A_406 = tpu.vector_load %arg8[%get3A_405] {strides = array<i32>} : memref<1024xf32, #tpu.memory_space<vmem>>, vector<16xf32>,
    %add3A_407 = arith.addf %get3A_401, %get3A_406 : vector<16xf32>
    %get3A_408 = arith.constant 144 : index
    %get3A_409 = tpu.vector_load %arg7[%get3A_408] {strides = array<i32>} : memref<1024xf32, #tpu.memory_space<vmem>>, vector<16xf32>,
    %add3A_410 = arith.addf %add3A_404, %get3A_409 : vector<16xf32>
    %get3A_411 = arith.constant 144 : index
    %get3A_412 = tpu.vector_load %arg8[%get3A_411] {strides = array<i32>} : memref<1024xf32, #tpu.memory_space<vmem>>, vector<16xf32>,
    %add3A_413 = arith.addf %add3A_407, %get3A_412 : vector<16xf32>
    %get3A_414 = arith.constant 208 : index
    %get3A_415 = tpu.vector_load %arg7[%get3A_414] {strides = array<i32>} : memref<1024xf32, #tpu.memory_space<vmem>>, vector<16xf32>,
    %add3A_416 = arith.addf %add3A_410, %get3A_415 : vector<16xf32>
    %get3A_417 = arith.constant 208 : index
    %get3A_418 = tpu.vector_load %arg8[%get3A_417] {strides = array<i32>} : memref<1024xf32, #tpu.memory_space<vmem>>, vector<16xf32>,
    %add3A_419 = arith.addf %add3A_413, %get3A_418 : vector<16xf32>
    %get3A_420 = arith.constant 272 : index
    %get3A_421 = tpu.vector_load %arg7[%get3A_420] {strides = array<i32>} : memref<1024xf32, #tpu.memory_space<vmem>>, vector<16xf32>,
    %add3A_422 = arith.addf %add3A_416, %get3A_421 : vector<16xf32>
    %get3A_423 = arith.constant 272 : index
    %get3A_424 = tpu.vector_load %arg8[%get3A_423] {strides = array<i32>} : memref<1024xf32, #tpu.memory_space<vmem>>, vector<16xf32>,
    %add3A_425 = arith.addf %add3A_419, %get3A_424 : vector<16xf32>
    %get3A_426 = arith.constant 336 : index
    %get3A_427 = tpu.vector_load %arg7[%get3A_426] {strides = array<i32>} : memref<1024xf32, #tpu.memory_space<vmem>>, vector<16xf32>,
    %add3A_428 = arith.addf %add3A_422, %get3A_427 : vector<16xf32>
    %get3A_429 = arith.constant 336 : index
    %get3A_430 = tpu.vector_load %arg8[%get3A_429] {strides = array<i32>} : memref<1024xf32, #tpu.memory_space<vmem>>, vector<16xf32>,
    %add3A_431 = arith.addf %add3A_425, %get3A_430 : vector<16xf32>
    %get3A_432 = arith.constant 400 : index
    %get3A_433 = tpu.vector_load %arg7[%get3A_432] {strides = array<i32>} : memref<1024xf32, #tpu.memory_space<vmem>>, vector<16xf32>,
    %add3A_434 = arith.addf %add3A_428, %get3A_433 : vector<16xf32>
    %get3A_435 = arith.constant 400 : index
    %get3A_436 = tpu.vector_load %arg8[%get3A_435] {strides = array<i32>} : memref<1024xf32, #tpu.memory_space<vmem>>, vector<16xf32>,
    %add3A_437 = arith.addf %add3A_431, %get3A_436 : vector<16xf32>
    %get3A_438 = arith.constant 464 : index
    %get3A_439 = tpu.vector_load %arg7[%get3A_438] {strides = array<i32>} : memref<1024xf32, #tpu.memory_space<vmem>>, vector<16xf32>,
    %add3A_440 = arith.addf %add3A_434, %get3A_439 : vector<16xf32>
    %get3A_441 = arith.constant 464 : index
    %get3A_442 = tpu.vector_load %arg8[%get3A_441] {strides = array<i32>} : memref<1024xf32, #tpu.memory_space<vmem>>, vector<16xf32>,
    %add3A_443 = arith.addf %add3A_437, %get3A_442 : vector<16xf32>
    %get3A_444 = arith.constant 528 : index
    %get3A_445 = tpu.vector_load %arg7[%get3A_444] {strides = array<i32>} : memref<1024xf32, #tpu.memory_space<vmem>>, vector<16xf32>,
    %add3A_446 = arith.addf %add3A_440, %get3A_445 : vector<16xf32>
    %get3A_447 = arith.constant 528 : index
    %get3A_448 = tpu.vector_load %arg8[%get3A_447] {strides = array<i32>} : memref<1024xf32, #tpu.memory_space<vmem>>, vector<16xf32>,
    %add3A_449 = arith.addf %add3A_443, %get3A_448 : vector<16xf32>
    %get3A_450 = arith.constant 592 : index
    %get3A_451 = tpu.vector_load %arg7[%get3A_450] {strides = array<i32>} : memref<1024xf32, #tpu.memory_space<vmem>>, vector<16xf32>,
    %add3A_452 = arith.addf %add3A_446, %get3A_451 : vector<16xf32>
    %get3A_453 = arith.constant 592 : index
    %get3A_454 = tpu.vector_load %arg8[%get3A_453] {strides = array<i32>} : memref<1024xf32, #tpu.memory_space<vmem>>, vector<16xf32>,
    %add3A_455 = arith.addf %add3A_449, %get3A_454 : vector<16xf32>
    %get3A_456 = arith.constant 656 : index
    %get3A_457 = tpu.vector_load %arg7[%get3A_456] {strides = array<i32>} : memref<1024xf32, #tpu.memory_space<vmem>>, vector<16xf32>,
    %add3A_458 = arith.addf %add3A_452, %get3A_457 : vector<16xf32>
    %get3A_459 = arith.constant 656 : index
    %get3A_460 = tpu.vector_load %arg8[%get3A_459] {strides = array<i32>} : memref<1024xf32, #tpu.memory_space<vmem>>, vector<16xf32>,
    %add3A_461 = arith.addf %add3A_455, %get3A_460 : vector<16xf32>
    %get3A_462 = arith.constant 720 : index
    %get3A_463 = tpu.vector_load %arg7[%get3A_462] {strides = array<i32>} : memref<1024xf32, #tpu.memory_space<vmem>>, vector<16xf32>,
    %add3A_464 = arith.addf %add3A_458, %get3A_463 : vector<16xf32>
    %get3A_465 = arith.constant 720 : index
    %get3A_466 = tpu.vector_load %arg8[%get3A_465] {strides = array<i32>} : memref<1024xf32, #tpu.memory_space<vmem>>, vector<16xf32>,
    %add3A_467 = arith.addf %add3A_461, %get3A_466 : vector<16xf32>
    %get3A_468 = arith.constant 784 : index
    %get3A_469 = tpu.vector_load %arg7[%get3A_468] {strides = array<i32>} : memref<1024xf32, #tpu.memory_space<vmem>>, vector<16xf32>,
    %add3A_470 = arith.addf %add3A_464, %get3A_469 : vector<16xf32>
    %get3A_471 = arith.constant 784 : index
    %get3A_472 = tpu.vector_load %arg8[%get3A_471] {strides = array<i32>} : memref<1024xf32, #tpu.memory_space<vmem>>, vector<16xf32>,
    %add3A_473 = arith.addf %add3A_467, %get3A_472 : vector<16xf32>
    %get3A_474 = arith.constant 848 : index
    %get3A_475 = tpu.vector_load %arg7[%get3A_474] {strides = array<i32>} : memref<1024xf32, #tpu.memory_space<vmem>>, vector<16xf32>,
    %add3A_476 = arith.addf %add3A_470, %get3A_475 : vector<16xf32>
    %get3A_477 = arith.constant 848 : index
    %get3A_478 = tpu.vector_load %arg8[%get3A_477] {strides = array<i32>} : memref<1024xf32, #tpu.memory_space<vmem>>, vector<16xf32>,
    %add3A_479 = arith.addf %add3A_473, %get3A_478 : vector<16xf32>
    %get3A_480 = arith.constant 912 : index
    %get3A_481 = tpu.vector_load %arg7[%get3A_480] {strides = array<i32>} : memref<1024xf32, #tpu.memory_space<vmem>>, vector<16xf32>,
    %add3A_482 = arith.addf %add3A_476, %get3A_481 : vector<16xf32>
    %get3A_483 = arith.constant 912 : index
    %get3A_484 = tpu.vector_load %arg8[%get3A_483] {strides = array<i32>} : memref<1024xf32, #tpu.memory_space<vmem>>, vector<16xf32>,
    %add3A_485 = arith.addf %add3A_479, %get3A_484 : vector<16xf32>
    %get3A_486 = arith.constant 976 : index
    %get3A_487 = tpu.vector_load %arg7[%get3A_486] {strides = array<i32>} : memref<1024xf32, #tpu.memory_space<vmem>>, vector<16xf32>,
    %add3A_488 = arith.addf %add3A_482, %get3A_487 : vector<16xf32>
    %get3A_489 = arith.constant 976 : index
    %get3A_490 = tpu.vector_load %arg8[%get3A_489] {strides = array<i32>} : memref<1024xf32, #tpu.memory_space<vmem>>, vector<16xf32>,
    %add3A_491 = arith.addf %add3A_485, %get3A_490 : vector<16xf32>
    %swap3A_492 = arith.constant 16 : index
    %swap3A_493 = tpu.vector_load %arg9[%swap3A_492] {strides = array<i32>} : memref<64xf32, #tpu.memory_space<vmem>>, vector<16xf32>,
    tpu.vector_store %arg9[%swap3A_492], %add3A_488 {strides = array<i32>} : memref<64xf32, #tpu.memory_space<vmem>>, vector<16xf32>,
    %swap3A_494 = arith.constant 16 : index
    %swap3A_495 = tpu.vector_load %arg10[%swap3A_494] {strides = array<i32>} : memref<64xf32, #tpu.memory_space<vmem>>, vector<16xf32>,
    tpu.vector_store %arg10[%swap3A_494], %add3A_491 {strides = array<i32>} : memref<64xf32, #tpu.memory_space<vmem>>, vector<16xf32>,
    %get3A_496 = arith.constant 32 : index
    %get3A_497 = tpu.vector_load %arg7[%get3A_496] {strides = array<i32>} : memref<1024xf32, #tpu.memory_space<vmem>>, vector<16xf32>,
    %get3A_498 = arith.constant 32 : index
    %get3A_499 = tpu.vector_load %arg8[%get3A_498] {strides = array<i32>} : memref<1024xf32, #tpu.memory_space<vmem>>, vector<16xf32>,
    %get3A_500 = arith.constant 96 : index
    %get3A_501 = tpu.vector_load %arg7[%get3A_500] {strides = array<i32>} : memref<1024xf32, #tpu.memory_space<vmem>>, vector<16xf32>,
    %add3A_502 = arith.addf %get3A_497, %get3A_501 : vector<16xf32>
    %get3A_503 = arith.constant 96 : index
    %get3A_504 = tpu.vector_load %arg8[%get3A_503] {strides = array<i32>} : memref<1024xf32, #tpu.memory_space<vmem>>, vector<16xf32>,
    %add3A_505 = arith.addf %get3A_499, %get3A_504 : vector<16xf32>
    %get3A_506 = arith.constant 160 : index
    %get3A_507 = tpu.vector_load %arg7[%get3A_506] {strides = array<i32>} : memref<1024xf32, #tpu.memory_space<vmem>>, vector<16xf32>,
    %add3A_508 = arith.addf %add3A_502, %get3A_507 : vector<16xf32>
    %get3A_509 = arith.constant 160 : index
    %get3A_510 = tpu.vector_load %arg8[%get3A_509] {strides = array<i32>} : memref<1024xf32, #tpu.memory_space<vmem>>, vector<16xf32>,
    %add3A_511 = arith.addf %add3A_505, %get3A_510 : vector<16xf32>
    %get3A_512 = arith.constant 224 : index
    %get3A_513 = tpu.vector_load %arg7[%get3A_512] {strides = array<i32>} : memref<1024xf32, #tpu.memory_space<vmem>>, vector<16xf32>,
    %add3A_514 = arith.addf %add3A_508, %get3A_513 : vector<16xf32>
    %get3A_515 = arith.constant 224 : index
    %get3A_516 = tpu.vector_load %arg8[%get3A_515] {strides = array<i32>} : memref<1024xf32, #tpu.memory_space<vmem>>, vector<16xf32>,
    %add3A_517 = arith.addf %add3A_511, %get3A_516 : vector<16xf32>
    %get3A_518 = arith.constant 288 : index
    %get3A_519 = tpu.vector_load %arg7[%get3A_518] {strides = array<i32>} : memref<1024xf32, #tpu.memory_space<vmem>>, vector<16xf32>,
    %add3A_520 = arith.addf %add3A_514, %get3A_519 : vector<16xf32>
    %get3A_521 = arith.constant 288 : index
    %get3A_522 = tpu.vector_load %arg8[%get3A_521] {strides = array<i32>} : memref<1024xf32, #tpu.memory_space<vmem>>, vector<16xf32>,
    %add3A_523 = arith.addf %add3A_517, %get3A_522 : vector<16xf32>
    %get3A_524 = arith.constant 352 : index
    %get3A_525 = tpu.vector_load %arg7[%get3A_524] {strides = array<i32>} : memref<1024xf32, #tpu.memory_space<vmem>>, vector<16xf32>,
    %add3A_526 = arith.addf %add3A_520, %get3A_525 : vector<16xf32>
    %get3A_527 = arith.constant 352 : index
    %get3A_528 = tpu.vector_load %arg8[%get3A_527] {strides = array<i32>} : memref<1024xf32, #tpu.memory_space<vmem>>, vector<16xf32>,
    %add3A_529 = arith.addf %add3A_523, %get3A_528 : vector<16xf32>
    %get3A_530 = arith.constant 416 : index
    %get3A_531 = tpu.vector_load %arg7[%get3A_530] {strides = array<i32>} : memref<1024xf32, #tpu.memory_space<vmem>>, vector<16xf32>,
    %add3A_532 = arith.addf %add3A_526, %get3A_531 : vector<16xf32>
    %get3A_533 = arith.constant 416 : index
    %get3A_534 = tpu.vector_load %arg8[%get3A_533] {strides = array<i32>} : memref<1024xf32, #tpu.memory_space<vmem>>, vector<16xf32>,
    %add3A_535 = arith.addf %add3A_529, %get3A_534 : vector<16xf32>
    %get3A_536 = arith.constant 480 : index
    %get3A_537 = tpu.vector_load %arg7[%get3A_536] {strides = array<i32>} : memref<1024xf32, #tpu.memory_space<vmem>>, vector<16xf32>,
    %add3A_538 = arith.addf %add3A_532, %get3A_537 : vector<16xf32>
    %get3A_539 = arith.constant 480 : index
    %get3A_540 = tpu.vector_load %arg8[%get3A_539] {strides = array<i32>} : memref<1024xf32, #tpu.memory_space<vmem>>, vector<16xf32>,
    %add3A_541 = arith.addf %add3A_535, %get3A_540 : vector<16xf32>
    %get3A_542 = arith.constant 544 : index
    %get3A_543 = tpu.vector_load %arg7[%get3A_542] {strides = array<i32>} : memref<1024xf32, #tpu.memory_space<vmem>>, vector<16xf32>,
    %add3A_544 = arith.addf %add3A_538, %get3A_543 : vector<16xf32>
    %get3A_545 = arith.constant 544 : index
    %get3A_546 = tpu.vector_load %arg8[%get3A_545] {strides = array<i32>} : memref<1024xf32, #tpu.memory_space<vmem>>, vector<16xf32>,
    %add3A_547 = arith.addf %add3A_541, %get3A_546 : vector<16xf32>
    %get3A_548 = arith.constant 608 : index
    %get3A_549 = tpu.vector_load %arg7[%get3A_548] {strides = array<i32>} : memref<1024xf32, #tpu.memory_space<vmem>>, vector<16xf32>,
    %add3A_550 = arith.addf %add3A_544, %get3A_549 : vector<16xf32>
    %get3A_551 = arith.constant 608 : index
    %get3A_552 = tpu.vector_load %arg8[%get3A_551] {strides = array<i32>} : memref<1024xf32, #tpu.memory_space<vmem>>, vector<16xf32>,
    %add3A_553 = arith.addf %add3A_547, %get3A_552 : vector<16xf32>
    %get3A_554 = arith.constant 672 : index
    %get3A_555 = tpu.vector_load %arg7[%get3A_554] {strides = array<i32>} : memref<1024xf32, #tpu.memory_space<vmem>>, vector<16xf32>,
    %add3A_556 = arith.addf %add3A_550, %get3A_555 : vector<16xf32>
    %get3A_557 = arith.constant 672 : index
    %get3A_558 = tpu.vector_load %arg8[%get3A_557] {strides = array<i32>} : memref<1024xf32, #tpu.memory_space<vmem>>, vector<16xf32>,
    %add3A_559 = arith.addf %add3A_553, %get3A_558 : vector<16xf32>
    %get3A_560 = arith.constant 736 : index
    %get3A_561 = tpu.vector_load %arg7[%get3A_560] {strides = array<i32>} : memref<1024xf32, #tpu.memory_space<vmem>>, vector<16xf32>,
    %add3A_562 = arith.addf %add3A_556, %get3A_561 : vector<16xf32>
    %get3A_563 = arith.constant 736 : index
    %get3A_564 = tpu.vector_load %arg8[%get3A_563] {strides = array<i32>} : memref<1024xf32, #tpu.memory_space<vmem>>, vector<16xf32>,
    %add3A_565 = arith.addf %add3A_559, %get3A_564 : vector<16xf32>
    %get3A_566 = arith.constant 800 : index
    %get3A_567 = tpu.vector_load %arg7[%get3A_566] {strides = array<i32>} : memref<1024xf32, #tpu.memory_space<vmem>>, vector<16xf32>,
    %add3A_568 = arith.addf %add3A_562, %get3A_567 : vector<16xf32>
    %get3A_569 = arith.constant 800 : index
    %get3A_570 = tpu.vector_load %arg8[%get3A_569] {strides = array<i32>} : memref<1024xf32, #tpu.memory_space<vmem>>, vector<16xf32>,
    %add3A_571 = arith.addf %add3A_565, %get3A_570 : vector<16xf32>
    %get3A_572 = arith.constant 864 : index
    %get3A_573 = tpu.vector_load %arg7[%get3A_572] {strides = array<i32>} : memref<1024xf32, #tpu.memory_space<vmem>>, vector<16xf32>,
    %add3A_574 = arith.addf %add3A_568, %get3A_573 : vector<16xf32>
    %get3A_575 = arith.constant 864 : index
    %get3A_576 = tpu.vector_load %arg8[%get3A_575] {strides = array<i32>} : memref<1024xf32, #tpu.memory_space<vmem>>, vector<16xf32>,
    %add3A_577 = arith.addf %add3A_571, %get3A_576 : vector<16xf32>
    %get3A_578 = arith.constant 928 : index
    %get3A_579 = tpu.vector_load %arg7[%get3A_578] {strides = array<i32>} : memref<1024xf32, #tpu.memory_space<vmem>>, vector<16xf32>,
    %add3A_580 = arith.addf %add3A_574, %get3A_579 : vector<16xf32>
    %get3A_581 = arith.constant 928 : index
    %get3A_582 = tpu.vector_load %arg8[%get3A_581] {strides = array<i32>} : memref<1024xf32, #tpu.memory_space<vmem>>, vector<16xf32>,
    %add3A_583 = arith.addf %add3A_577, %get3A_582 : vector<16xf32>
    %get3A_584 = arith.constant 992 : index
    %get3A_585 = tpu.vector_load %arg7[%get3A_584] {strides = array<i32>} : memref<1024xf32, #tpu.memory_space<vmem>>, vector<16xf32>,
    %add3A_586 = arith.addf %add3A_580, %get3A_585 : vector<16xf32>
    %get3A_587 = arith.constant 992 : index
    %get3A_588 = tpu.vector_load %arg8[%get3A_587] {strides = array<i32>} : memref<1024xf32, #tpu.memory_space<vmem>>, vector<16xf32>,
    %add3A_589 = arith.addf %add3A_583, %get3A_588 : vector<16xf32>
    %swap3A_590 = arith.constant 32 : index
    %swap3A_591 = tpu.vector_load %arg9[%swap3A_590] {strides = array<i32>} : memref<64xf32, #tpu.memory_space<vmem>>, vector<16xf32>,
    tpu.vector_store %arg9[%swap3A_590], %add3A_586 {strides = array<i32>} : memref<64xf32, #tpu.memory_space<vmem>>, vector<16xf32>,
    %swap3A_592 = arith.constant 32 : index
    %swap3A_593 = tpu.vector_load %arg10[%swap3A_592] {strides = array<i32>} : memref<64xf32, #tpu.memory_space<vmem>>, vector<16xf32>,
    tpu.vector_store %arg10[%swap3A_592], %add3A_589 {strides = array<i32>} : memref<64xf32, #tpu.memory_space<vmem>>, vector<16xf32>,
    %get3A_594 = arith.constant 48 : index
    %get3A_595 = tpu.vector_load %arg7[%get3A_594] {strides = array<i32>} : memref<1024xf32, #tpu.memory_space<vmem>>, vector<16xf32>,
    %get3A_596 = arith.constant 48 : index
    %get3A_597 = tpu.vector_load %arg8[%get3A_596] {strides = array<i32>} : memref<1024xf32, #tpu.memory_space<vmem>>, vector<16xf32>,
    %get3A_598 = arith.constant 112 : index
    %get3A_599 = tpu.vector_load %arg7[%get3A_598] {strides = array<i32>} : memref<1024xf32, #tpu.memory_space<vmem>>, vector<16xf32>,
    %add3A_600 = arith.addf %get3A_595, %get3A_599 : vector<16xf32>
    %get3A_601 = arith.constant 112 : index
    %get3A_602 = tpu.vector_load %arg8[%get3A_601] {strides = array<i32>} : memref<1024xf32, #tpu.memory_space<vmem>>, vector<16xf32>,
    %add3A_603 = arith.addf %get3A_597, %get3A_602 : vector<16xf32>
    %get3A_604 = arith.constant 176 : index
    %get3A_605 = tpu.vector_load %arg7[%get3A_604] {strides = array<i32>} : memref<1024xf32, #tpu.memory_space<vmem>>, vector<16xf32>,
    %add3A_606 = arith.addf %add3A_600, %get3A_605 : vector<16xf32>
    %get3A_607 = arith.constant 176 : index
    %get3A_608 = tpu.vector_load %arg8[%get3A_607] {strides = array<i32>} : memref<1024xf32, #tpu.memory_space<vmem>>, vector<16xf32>,
    %add3A_609 = arith.addf %add3A_603, %get3A_608 : vector<16xf32>
    %get3A_610 = arith.constant 240 : index
    %get3A_611 = tpu.vector_load %arg7[%get3A_610] {strides = array<i32>} : memref<1024xf32, #tpu.memory_space<vmem>>, vector<16xf32>,
    %add3A_612 = arith.addf %add3A_606, %get3A_611 : vector<16xf32>
    %get3A_613 = arith.constant 240 : index
    %get3A_614 = tpu.vector_load %arg8[%get3A_613] {strides = array<i32>} : memref<1024xf32, #tpu.memory_space<vmem>>, vector<16xf32>,
    %add3A_615 = arith.addf %add3A_609, %get3A_614 : vector<16xf32>
    %get3A_616 = arith.constant 304 : index
    %get3A_617 = tpu.vector_load %arg7[%get3A_616] {strides = array<i32>} : memref<1024xf32, #tpu.memory_space<vmem>>, vector<16xf32>,
    %add3A_618 = arith.addf %add3A_612, %get3A_617 : vector<16xf32>
    %get3A_619 = arith.constant 304 : index
    %get3A_620 = tpu.vector_load %arg8[%get3A_619] {strides = array<i32>} : memref<1024xf32, #tpu.memory_space<vmem>>, vector<16xf32>,
    %add3A_621 = arith.addf %add3A_615, %get3A_620 : vector<16xf32>
    %get3A_622 = arith.constant 368 : index
    %get3A_623 = tpu.vector_load %arg7[%get3A_622] {strides = array<i32>} : memref<1024xf32, #tpu.memory_space<vmem>>, vector<16xf32>,
    %add3A_624 = arith.addf %add3A_618, %get3A_623 : vector<16xf32>
    %get3A_625 = arith.constant 368 : index
    %get3A_626 = tpu.vector_load %arg8[%get3A_625] {strides = array<i32>} : memref<1024xf32, #tpu.memory_space<vmem>>, vector<16xf32>,
    %add3A_627 = arith.addf %add3A_621, %get3A_626 : vector<16xf32>
    %get3A_628 = arith.constant 432 : index
    %get3A_629 = tpu.vector_load %arg7[%get3A_628] {strides = array<i32>} : memref<1024xf32, #tpu.memory_space<vmem>>, vector<16xf32>,
    %add3A_630 = arith.addf %add3A_624, %get3A_629 : vector<16xf32>
    %get3A_631 = arith.constant 432 : index
    %get3A_632 = tpu.vector_load %arg8[%get3A_631] {strides = array<i32>} : memref<1024xf32, #tpu.memory_space<vmem>>, vector<16xf32>,
    %add3A_633 = arith.addf %add3A_627, %get3A_632 : vector<16xf32>
    %get3A_634 = arith.constant 496 : index
    %get3A_635 = tpu.vector_load %arg7[%get3A_634] {strides = array<i32>} : memref<1024xf32, #tpu.memory_space<vmem>>, vector<16xf32>,
    %add3A_636 = arith.addf %add3A_630, %get3A_635 : vector<16xf32>
    %get3A_637 = arith.constant 496 : index
    %get3A_638 = tpu.vector_load %arg8[%get3A_637] {strides = array<i32>} : memref<1024xf32, #tpu.memory_space<vmem>>, vector<16xf32>,
    %add3A_639 = arith.addf %add3A_633, %get3A_638 : vector<16xf32>
    %get3A_640 = arith.constant 560 : index
    %get3A_641 = tpu.vector_load %arg7[%get3A_640] {strides = array<i32>} : memref<1024xf32, #tpu.memory_space<vmem>>, vector<16xf32>,
    %add3A_642 = arith.addf %add3A_636, %get3A_641 : vector<16xf32>
    %get3A_643 = arith.constant 560 : index
    %get3A_644 = tpu.vector_load %arg8[%get3A_643] {strides = array<i32>} : memref<1024xf32, #tpu.memory_space<vmem>>, vector<16xf32>,
    %add3A_645 = arith.addf %add3A_639, %get3A_644 : vector<16xf32>
    %get3A_646 = arith.constant 624 : index
    %get3A_647 = tpu.vector_load %arg7[%get3A_646] {strides = array<i32>} : memref<1024xf32, #tpu.memory_space<vmem>>, vector<16xf32>,
    %add3A_648 = arith.addf %add3A_642, %get3A_647 : vector<16xf32>
    %get3A_649 = arith.constant 624 : index
    %get3A_650 = tpu.vector_load %arg8[%get3A_649] {strides = array<i32>} : memref<1024xf32, #tpu.memory_space<vmem>>, vector<16xf32>,
    %add3A_651 = arith.addf %add3A_645, %get3A_650 : vector<16xf32>
    %get3A_652 = arith.constant 688 : index
    %get3A_653 = tpu.vector_load %arg7[%get3A_652] {strides = array<i32>} : memref<1024xf32, #tpu.memory_space<vmem>>, vector<16xf32>,
    %add3A_654 = arith.addf %add3A_648, %get3A_653 : vector<16xf32>
    %get3A_655 = arith.constant 688 : index
    %get3A_656 = tpu.vector_load %arg8[%get3A_655] {strides = array<i32>} : memref<1024xf32, #tpu.memory_space<vmem>>, vector<16xf32>,
    %add3A_657 = arith.addf %add3A_651, %get3A_656 : vector<16xf32>
    %get3A_658 = arith.constant 752 : index
    %get3A_659 = tpu.vector_load %arg7[%get3A_658] {strides = array<i32>} : memref<1024xf32, #tpu.memory_space<vmem>>, vector<16xf32>,
    %add3A_660 = arith.addf %add3A_654, %get3A_659 : vector<16xf32>
    %get3A_661 = arith.constant 752 : index
    %get3A_662 = tpu.vector_load %arg8[%get3A_661] {strides = array<i32>} : memref<1024xf32, #tpu.memory_space<vmem>>, vector<16xf32>,
    %add3A_663 = arith.addf %add3A_657, %get3A_662 : vector<16xf32>
    %get3A_664 = arith.constant 816 : index
    %get3A_665 = tpu.vector_load %arg7[%get3A_664] {strides = array<i32>} : memref<1024xf32, #tpu.memory_space<vmem>>, vector<16xf32>,
    %add3A_666 = arith.addf %add3A_660, %get3A_665 : vector<16xf32>
    %get3A_667 = arith.constant 816 : index
    %get3A_668 = tpu.vector_load %arg8[%get3A_667] {strides = array<i32>} : memref<1024xf32, #tpu.memory_space<vmem>>, vector<16xf32>,
    %add3A_669 = arith.addf %add3A_663, %get3A_668 : vector<16xf32>
    %get3A_670 = arith.constant 880 : index
    %get3A_671 = tpu.vector_load %arg7[%get3A_670] {strides = array<i32>} : memref<1024xf32, #tpu.memory_space<vmem>>, vector<16xf32>,
    %add3A_672 = arith.addf %add3A_666, %get3A_671 : vector<16xf32>
    %get3A_673 = arith.constant 880 : index
    %get3A_674 = tpu.vector_load %arg8[%get3A_673] {strides = array<i32>} : memref<1024xf32, #tpu.memory_space<vmem>>, vector<16xf32>,
    %add3A_675 = arith.addf %add3A_669, %get3A_674 : vector<16xf32>
    %get3A_676 = arith.constant 944 : index
    %get3A_677 = tpu.vector_load %arg7[%get3A_676] {strides = array<i32>} : memref<1024xf32, #tpu.memory_space<vmem>>, vector<16xf32>,
    %add3A_678 = arith.addf %add3A_672, %get3A_677 : vector<16xf32>
    %get3A_679 = arith.constant 944 : index
    %get3A_680 = tpu.vector_load %arg8[%get3A_679] {strides = array<i32>} : memref<1024xf32, #tpu.memory_space<vmem>>, vector<16xf32>,
    %add3A_681 = arith.addf %add3A_675, %get3A_680 : vector<16xf32>
    %get3A_682 = arith.constant 1008 : index
    %get3A_683 = tpu.vector_load %arg7[%get3A_682] {strides = array<i32>} : memref<1024xf32, #tpu.memory_space<vmem>>, vector<16xf32>,
    %add3A_684 = arith.addf %add3A_678, %get3A_683 : vector<16xf32>
    %get3A_685 = arith.constant 1008 : index
    %get3A_686 = tpu.vector_load %arg8[%get3A_685] {strides = array<i32>} : memref<1024xf32, #tpu.memory_space<vmem>>, vector<16xf32>,
    %add3A_687 = arith.addf %add3A_681, %get3A_686 : vector<16xf32>
    %swap3A_688 = arith.constant 48 : index
    %swap3A_689 = tpu.vector_load %arg9[%swap3A_688] {strides = array<i32>} : memref<64xf32, #tpu.memory_space<vmem>>, vector<16xf32>,
    tpu.vector_store %arg9[%swap3A_688], %add3A_684 {strides = array<i32>} : memref<64xf32, #tpu.memory_space<vmem>>, vector<16xf32>,
    %swap3A_690 = arith.constant 48 : index
    %swap3A_691 = tpu.vector_load %arg10[%swap3A_690] {strides = array<i32>} : memref<64xf32, #tpu.memory_space<vmem>>, vector<16xf32>,
    tpu.vector_store %arg10[%swap3A_690], %add3A_687 {strides = array<i32>} : memref<64xf32, #tpu.memory_space<vmem>>, vector<16xf32>,
    %run_scoped3A = arith.constant 0 : i32
    "tpu.region"() ({
      %run_scoped3A_693 = tpu.sem_alloc : memref<!tpu.dma_semaphore, #tpu.memory_space<semaphore_mem>>
      %dma_start3A_694 = arith.constant 0 : i32
      %dma_start3A_695 = tpu.memref_slice %arg4[%add3A, %run_scoped3A, %dma_start3A_694] : memref<32x2x64xf32, #tpu.memory_space<hbm>> -> memref<1x1x64xf32, #tpu.memory_space<hbm>>
      %dma_start3A_696 = tpu.memref_squeeze %dma_start3A_695 : memref<1x1x64xf32, #tpu.memory_space<hbm>> -> memref<64xf32, #tpu.memory_space<hbm>>
      %dma_start3A_697 = arith.constant 0 : i32
      %dma_start3A_698 = tpu.memref_slice %arg4[%add3A, %run_scoped3A, %dma_start3A_697] : memref<32x2x64xf32, #tpu.memory_space<hbm>> -> memref<1x1x64xf32, #tpu.memory_space<hbm>>
      %dma_start3A_699 = tpu.memref_squeeze %dma_start3A_698 : memref<1x1x64xf32, #tpu.memory_space<hbm>> -> memref<64xf32, #tpu.memory_space<hbm>>
      tpu.enqueue_dma source(%arg9 : memref<64xf32, #tpu.memory_space<vmem>>) target(%dma_start3A_699 : memref<64xf32, #tpu.memory_space<hbm>>) target_semaphore(%run_scoped3A_693 : memref<!tpu.dma_semaphore, #tpu.memory_space<semaphore_mem>>)
      %dma_wait3A = arith.constant 0 : i32
      %dma_wait3A_700 = tpu.memref_slice %arg4[%add3A, %run_scoped3A, %dma_wait3A] : memref<32x2x64xf32, #tpu.memory_space<hbm>> -> memref<1x1x64xf32, #tpu.memory_space<hbm>>
      %dma_wait3A_701 = tpu.memref_squeeze %dma_wait3A_700 : memref<1x1x64xf32, #tpu.memory_space<hbm>> -> memref<64xf32, #tpu.memory_space<hbm>>
      %dma_wait3A_702 = arith.constant 0 : i32
      %dma_wait3A_703 = tpu.memref_slice %arg4[%add3A, %run_scoped3A, %dma_wait3A_702] : memref<32x2x64xf32, #tpu.memory_space<hbm>> -> memref<1x1x64xf32, #tpu.memory_space<hbm>>
      %dma_wait3A_704 = tpu.memref_squeeze %dma_wait3A_703 : memref<1x1x64xf32, #tpu.memory_space<hbm>> -> memref<64xf32, #tpu.memory_space<hbm>>
      tpu.wait_dma2 semaphore(%run_scoped3A_693 : memref<!tpu.dma_semaphore, #tpu.memory_space<semaphore_mem>>) src(%arg9 : memref<64xf32, #tpu.memory_space<vmem>>) dst(%dma_wait3A_704 : memref<64xf32, #tpu.memory_space<hbm>>)
      tpu.yield
    }) : () -> ()
    %run_scoped3A_692 = arith.constant 1 : i32
    "tpu.region"() ({
      %run_scoped3A_693 = tpu.sem_alloc : memref<!tpu.dma_semaphore, #tpu.memory_space<semaphore_mem>>
      %dma_start3A_694 = arith.constant 0 : i32
      %dma_start3A_695 = tpu.memref_slice %arg4[%add3A, %run_scoped3A_692, %dma_start3A_694] : memref<32x2x64xf32, #tpu.memory_space<hbm>> -> memref<1x1x64xf32, #tpu.memory_space<hbm>>
      %dma_start3A_696 = tpu.memref_squeeze %dma_start3A_695 : memref<1x1x64xf32, #tpu.memory_space<hbm>> -> memref<64xf32, #tpu.memory_space<hbm>>
      %dma_start3A_697 = arith.constant 0 : i32
      %dma_start3A_698 = tpu.memref_slice %arg4[%add3A, %run_scoped3A_692, %dma_start3A_697] : memref<32x2x64xf32, #tpu.memory_space<hbm>> -> memref<1x1x64xf32, #tpu.memory_space<hbm>>
      %dma_start3A_699 = tpu.memref_squeeze %dma_start3A_698 : memref<1x1x64xf32, #tpu.memory_space<hbm>> -> memref<64xf32, #tpu.memory_space<hbm>>
      tpu.enqueue_dma source(%arg10 : memref<64xf32, #tpu.memory_space<vmem>>) target(%dma_start3A_699 : memref<64xf32, #tpu.memory_space<hbm>>) target_semaphore(%run_scoped3A_693 : memref<!tpu.dma_semaphore, #tpu.memory_space<semaphore_mem>>)
      %dma_wait3A = arith.constant 0 : i32
      %dma_wait3A_700 = tpu.memref_slice %arg4[%add3A, %run_scoped3A_692, %dma_wait3A] : memref<32x2x64xf32, #tpu.memory_space<hbm>> -> memref<1x1x64xf32, #tpu.memory_space<hbm>>
      %dma_wait3A_701 = tpu.memref_squeeze %dma_wait3A_700 : memref<1x1x64xf32, #tpu.memory_space<hbm>> -> memref<64xf32, #tpu.memory_space<hbm>>
      %dma_wait3A_702 = arith.constant 0 : i32
      %dma_wait3A_703 = tpu.memref_slice %arg4[%add3A, %run_scoped3A_692, %dma_wait3A_702] : memref<32x2x64xf32, #tpu.memory_space<hbm>> -> memref<1x1x64xf32, #tpu.memory_space<hbm>>
      %dma_wait3A_704 = tpu.memref_squeeze %dma_wait3A_703 : memref<1x1x64xf32, #tpu.memory_space<hbm>> -> memref<64xf32, #tpu.memory_space<hbm>>
      tpu.wait_dma2 semaphore(%run_scoped3A_693 : memref<!tpu.dma_semaphore, #tpu.memory_space<semaphore_mem>>) src(%arg10 : memref<64xf32, #tpu.memory_space<vmem>>) dst(%dma_wait3A_704 : memref<64xf32, #tpu.memory_space<hbm>>)
      tpu.yield
    }) : () -> ()
    return
  }
}

module attributes {stable_mosaic.version = 14 : i64} {
  func.func @_combine_body(%arg0: memref<32x2x64xf32, #tpu.memory_space<vmem>>, %arg1: memref<1x1xf32, #tpu.memory_space<vmem>>) attributes {dimension_semantics = [], scalar_prefetch = 0 : i64, scratch_operands = 0 : i64, tpu.core_type = #tpu.core_type<tc>} {
    %get3A = arith.constant 0 : index
    %get3A_0 = arith.constant 0 : index
    %get3A_1 = arith.constant 0 : index
    %get3A_2 = vector.load %arg0[%get3A, %get3A_0, %get3A_1] : memref<32x2x64xf32, #tpu.memory_space<vmem>>, vector<32x2x64xf32>
    %slice3A = vector.extract_strided_slice %get3A_2 {offsets = [0, 0, 0], sizes = [32, 1, 64], strides = [1, 1, 1]} : vector<32x2x64xf32> to vector<32x1x64xf32>
    %squeeze3A = vector.shape_cast %slice3A : vector<32x1x64xf32> to vector<32x64xf32>
    %reduce_sum3A = arith.constant dense<0.000000e+00> : vector<64xf32>
    %reduce_sum3A_3 = vector.multi_reduction <add>, %squeeze3A, %reduce_sum3A [0] : vector<32x64xf32> to vector<64xf32>
    %slice3A_4 = vector.extract_strided_slice %get3A_2 {offsets = [0, 1, 0], sizes = [32, 1, 64], strides = [1, 1, 1]} : vector<32x2x64xf32> to vector<32x1x64xf32>
    %squeeze3A_5 = vector.shape_cast %slice3A_4 : vector<32x1x64xf32> to vector<32x64xf32>
    %reduce_sum3A_6 = arith.constant dense<0.000000e+00> : vector<64xf32>
    %reduce_sum3A_7 = vector.multi_reduction <add>, %squeeze3A_5, %reduce_sum3A_6 [0] : vector<32x64xf32> to vector<64xf32>
    %gt3A = arith.constant 0.000000e+00 : f32
    %gt3A_8 = vector.broadcast %gt3A : f32 to vector<64xf32>
    %gt3A_9 = arith.cmpf ogt, %reduce_sum3A_7, %gt3A_8 : vector<64xf32>
    %add3A = arith.constant 9.99999997E-7 : f32
    %add3A_10 = vector.broadcast %add3A : f32 to vector<64xf32>
    %add3A_11 = arith.addf %reduce_sum3A_7, %add3A_10 : vector<64xf32>
    %div3A = arith.constant 1.000000e+00 : f32
    %div3A_12 = vector.broadcast %div3A : f32 to vector<64xf32>
    %div3A_13 = arith.divf %div3A_12, %add3A_11 : vector<64xf32>
    %jit3A = arith.constant 0.000000e+00 : f32
    %broadcast_in_dim3A = vector.broadcast %jit3A : f32 to vector<64xf32>
    %select_n3A = arith.select %gt3A_9, %div3A_13, %broadcast_in_dim3A : vector<64xi1>, vector<64xf32>
    %mul3A = arith.mulf %reduce_sum3A_3, %select_n3A : vector<64xf32>
    %reduce_sum3A_14 = vector.shape_cast %mul3A : vector<64xf32> to vector<1x64xf32>
    %reduce_sum3A_15 = arith.constant dense<0.000000e+00> : vector<1xf32>
    %reduce_sum3A_16 = vector.multi_reduction <add>, %reduce_sum3A_14, %reduce_sum3A_15 [1] : vector<1x64xf32> to vector<1xf32>
    %reduce_sum3A_17 = vector.shape_cast %reduce_sum3A_16 : vector<1xf32> to vector<1x1xf32>
    %reduce_sum3A_18 = vector.extract %reduce_sum3A_17[0, 0] : f32 from vector<1x1xf32>
    %gt3A_19 = arith.constant 0.000000e+00 : f32
    %gt3A_20 = vector.broadcast %gt3A_19 : f32 to vector<64xf32>
    %gt3A_21 = arith.cmpf ogt, %reduce_sum3A_7, %gt3A_20 : vector<64xf32>
    %convert_element_type3A = arith.extui %gt3A_21 : vector<64xi1> to vector<64xi32>
    %convert_element_type3A_22 = arith.sitofp %convert_element_type3A : vector<64xi32> to vector<64xf32>
    %reduce_sum3A_23 = vector.shape_cast %convert_element_type3A_22 : vector<64xf32> to vector<1x64xf32>
    %reduce_sum3A_24 = arith.constant dense<0.000000e+00> : vector<1xf32>
    %reduce_sum3A_25 = vector.multi_reduction <add>, %reduce_sum3A_23, %reduce_sum3A_24 [1] : vector<1x64xf32> to vector<1xf32>
    %reduce_sum3A_26 = vector.shape_cast %reduce_sum3A_25 : vector<1xf32> to vector<1x1xf32>
    %reduce_sum3A_27 = vector.extract %reduce_sum3A_26[0, 0] : f32 from vector<1x1xf32>
    %eq3A = arith.constant 0.000000e+00 : f32
    %eq3A_28 = arith.cmpf oeq, %reduce_sum3A_27, %eq3A : f32
    %div3A_29 = arith.divf %reduce_sum3A_18, %reduce_sum3A_27 : f32
    %jit3A_30 = arith.constant 0.000000e+00 : f32
    %select_n3A_31 = arith.select %eq3A_28, %jit3A_30, %div3A_29 : f32
    %broadcast_in_dim3A_32 = vector.broadcast %select_n3A_31 : f32 to vector<1x1xf32>
    %swap3A = arith.constant 0 : index
    %swap3A_33 = arith.constant 0 : index
    %swap3A_34 = vector.load %arg1[%swap3A, %swap3A_33] : memref<1x1xf32, #tpu.memory_space<vmem>>, vector<1x1xf32>
    tpu.vector_store %arg1[%swap3A, %swap3A_33], %broadcast_in_dim3A_32 {strides = array<i32>} : memref<1x1xf32, #tpu.memory_space<vmem>>, vector<1x1xf32>,
    return
  }
}

</mosaic_0001>

<sc_bundles>
// kernel: kernel.4.cloned.1.call-start
scs
__scs_entry_jumppad:
0x0: {  	(pc) =	sbr.rel $0x88, $3  }
0x1: {  	(tag) =	ssettag $0x0;
	lr =	simm.s32 $0x1  }
0x2: {  	[smem:$0x3F9F] =	sst lr;
	_ =	strace $0xD0000000  }
0x3: {  	_ = 	snop  }
0x4: {  	_ = 	snop  }
0x5: {  	_ = 	snop  }
0x6: {  	_ = 	snop  }
0x7: {  	_ = 	snop  }
__scs_overlays_trampoline_lowered:
0x8: {  	[smem:$0x3FAE] =	sst s0  }
0x9: {  	[smem:$0x3FAF] =	sst s1  }
0xa: {  	[smem:$0x3FB0] =	sst s2  }
0xb: {  	[smem:$0x3FB1] =	sst s3  }
0xc: {  	[smem:$0x3FB2] =	sst s4  }
0xd: {  	[smem:$0x3FB3] =	sst s5  }
0xe: {  	[smem:$0x3FB4] =	sst s6  }
0xf: {  	[smem:$0x3FB5] =	sst s7  }
0x10: {  	[smem:$0x3FB6] =	sst s8  }
0x11: {  	[smem:$0x3FB7] =	sst s9;
	s0 =	simm.s32 @!p0 $0x0  }
0x12: {  	s1 =	sld [smem:$0x3F9D];
	s0 =	simm.s32 @p0 $0x1  }
0x13: {  	[smem:$0x3FB8] =	sst s0;
	s0 =	simm.s32 @!p1 $0x0  }
0x14: {  	s2 =	sld [smem:$0x3F9C];
	s0 =	simm.s32 @p1 $0x1  }
0x15: {  	[smem:$0x3FB9] =	sst s0;
	s0 =	simm.s32 @!p2 $0x0  }
0x16: {  	s3 =	sld [smem:$0x3FDB];
	s0 =	simm.s32 @p2 $0x1  }
0x17: {  	s4 =	simm.s32 $0x1BF5;
	[smem:$0x3FBB] =	sst s0  }
0x18: {  	s0 =	sld [smem:$0x3F9E];
	_ =	swait.ge [sflag:s4], $0x0  }
0x19: {  	s7 =	sld [smem:$0x3F9F]  }
0x1a: {  	s8 =	sadd.s32 $0xFFFFE003, lr  }
0x1b: {  	s9 =	sadd.s32 $0xFFFFFEF7, lr;
	s5 =	simm.s32 $0xFFFFFFFF;
	p2 =	slt.u32 s8, $0xFFFFF086  }
0x1c: {  	p1 =	slt.u32 s9, $0xF7A;
	s5 =	simm.s32 @!p2 $0x0  }
0x1d: {  	s5 =	simm.s32 @p1 $0x1;
	p0 =	seq.s32 s7, s2  }
0x1e: {  	s7 =	smul.u32 @!p0 $0xF7A, s2;
	p2 =	seq.s32 @!p0 s5, $0x0  }
0x1f: {  	s9 =	smul.u32 $0xF7A, s1;
	s8 =	simm.s32 @!p0 $0x1BF5;
	p2 =	por !p2, p0  }
0x20: {  	[sflag:s8] =	ssyncset.s32 @!p0 $0xFFFFF086;
	s6 =	sadd.s32 @!p0 s3, s7;
	s7 =	simm.s32 @!p0 $0x108  }
0x21: {  	s3 =	sadd.s32 s3, s9;
	s6 =	sadd.s32 @!p0 $0x88, s6;
	s7 =	simm.s32 @p2 $0x1082  }
0x22: {  	[simem:s7], [sflag:s8] =	dma.local @!p0 [hbm:s6], $0xF7A  }
0x23: {  	s9 =	sor.u32 $0xD0000000, s2;
	s6 =	simm.s32 $0x108;
	_ =	swait.ge @!p0 [sflag:s8], $0x0  }
0x24: {  	s3 =	sadd.s32 $0x88, s3;
	s6 =	simm.s32 @!p1 $0x1082;
	[sflag:s4] =	ssyncset.s32 $0xFFFFF086  }
0x25: {  	[simem:s6], [sflag:s4] =	dma.local [hbm:s3], $0xF7A  }
0x26: {  	[smem:$0x3F9F] =	sst s1;
	(tag) =	ssettag s2;
	_ =	strace s9  }
0x27: {  	s1 =	sld [smem:$0x3FAF]  }
0x28: {  	s2 =	sld [smem:$0x3FB0]  }
0x29: {  	s4 =	sld [smem:$0x3FB2]  }
0x2a: {  	p0 =	seq.s32 s5, $0x0;
	s5 =	sld [smem:$0x3FB3]  }
0x2b: {  	s6 =	sld [smem:$0x3FB4]  }
0x2c: {  	s7 =	sld [smem:$0x3FB5]  }
0x2d: {  	s3 =	simm.s32 $0x108;
	s8 =	sld [smem:$0x3FB6]  }
0x2e: {  	s3 =	simm.s32 @!p0 $0x1082;
	s9 =	sld [smem:$0x3FB7]  }
0x2f: {  	lr =	sadd.s32 s0, s3;
	s0 =	sld [smem:$0x3FAE]  }
0x30: {  	s3 =	sld [smem:$0x3FB1]  }
0x31: {  	[smem:$0x3FBA] =	sst s10  }
0x32: {  	s10 =	sld [smem:$0x3FB8];
	_ =	sdelay $0x3  }
0x33: {  	p0 =	seq.s32 s10, $0x1;
	s10 =	sld [smem:$0x3FBA];
	_ =	sdelay $0x3  }
0x34: {  	[smem:$0x3FBA] =	sst s10  }
0x35: {  	s10 =	sld [smem:$0x3FB9];
	_ =	sdelay $0x3  }
0x36: {  	p1 =	seq.s32 s10, $0x1;
	s10 =	sld [smem:$0x3FBA];
	_ =	sdelay $0x3  }
0x37: {  	[smem:$0x3FBA] =	sst s10  }
0x38: {  	s10 =	sld [smem:$0x3FBB]  }
0x39: {  	_ = 	snop;
	(pc) =	sbr.ind lr, $3  }
0x3a: {  	_ = 	snop  }
0x3b: {  	_ = 	snop  }
0x3c: {  	p2 =	seq.s32 s10, $0x1;
	s10 =	sld [smem:$0x3FBA]  }
0x3d: {  	_ =	shalt  }
0x3e: {  	_ =	shalt  }
0x3f: {  	_ =	shalt  }
0x40: {  	_ =	shalt  }
0x41: {  	_ =	shalt  }
0x42: {  	_ =	shalt  }
0x43: {  	_ =	shalt  }
0x44: {  	_ =	shalt  }
0x45: {  	_ =	shalt  }
0x46: {  	_ =	shalt  }
0x47: {  	_ =	shalt  }
0x48: {  	_ =	shalt  }
0x49: {  	_ =	shalt  }
0x4a: {  	_ =	shalt  }
0x4b: {  	_ =	shalt  }
0x4c: {  	_ =	shalt  }
0x4d: {  	_ =	shalt  }
0x4e: {  	_ =	shalt  }
0x4f: {  	_ =	shalt  }
0x50: {  	_ =	shalt  }
0x51: {  	_ =	shalt  }
0x52: {  	_ =	shalt  }
0x53: {  	_ =	shalt  }
0x54: {  	_ =	shalt  }
0x55: {  	_ =	shalt  }
0x56: {  	_ =	shalt  }
0x57: {  	_ =	shalt  }
0x58: {  	_ =	shalt  }
0x59: {  	_ =	shalt  }
0x5a: {  	_ =	shalt  }
0x5b: {  	_ =	shalt  }
0x5c: {  	_ =	shalt  }
0x5d: {  	_ =	shalt  }
0x5e: {  	_ =	shalt  }
0x5f: {  	_ =	shalt  }
0x60: {  	_ =	shalt  }
0x61: {  	_ =	shalt  }
0x62: {  	_ =	shalt  }
0x63: {  	_ =	shalt  }
0x64: {  	_ =	shalt  }
0x65: {  	_ =	shalt  }
0x66: {  	_ =	shalt  }
0x67: {  	_ =	shalt  }
0x68: {  	_ =	shalt  }
0x69: {  	_ =	shalt  }
0x6a: {  	_ =	shalt  }
0x6b: {  	_ =	shalt  }
0x6c: {  	_ =	shalt  }
0x6d: {  	_ =	shalt  }
0x6e: {  	_ =	shalt  }
0x6f: {  	_ =	shalt  }
0x70: {  	_ =	shalt  }
0x71: {  	_ =	shalt  }
0x72: {  	_ =	shalt  }
0x73: {  	_ =	shalt  }
0x74: {  	_ =	shalt  }
0x75: {  	_ =	shalt  }
0x76: {  	_ =	shalt  }
0x77: {  	_ =	shalt  }
0x78: {  	_ =	shalt  }
0x79: {  	_ =	shalt  }
0x7a: {  	_ =	shalt  }
0x7b: {  	_ =	shalt  }
0x7c: {  	_ =	shalt  }
0x7d: {  	_ =	shalt  }
0x7e: {  	_ =	shalt  }
0x7f: {  	_ =	shalt  }
0x80: {  	_ =	shalt  }
0x81: {  	_ =	shalt  }
0x82: {  	_ =	shalt  }
0x83: {  	_ =	shalt  }
0x84: {  	_ =	shalt  }
0x85: {  	_ =	shalt  }
0x86: {  	_ =	shalt  }
0x87: {  	_ =	shalt  }
.Lfunc_end0:
.L_simem_size_0:
called_computation_lowered:
.L_overlay_start_0:
0x88: {  	s2 =	sld [smem:$0x3FD9]  }
0x89: {  	s3 =	sld [smem:$0x3FFE];
	_ =	sdelay $0x1  }
0x8a: {  	s1 =	srdreg.scid  }
0x8b: {  	s0 =	sand.u32 $0x1, s1  }
0x8c: {  	s17 =	sshll.u32 s0, $0xA;
	s2 =	sadd.s32 s3, s2  }
0x8d: {  	s2 =	sadd.s32 s2, s17  }
0x8e: {  	[smem:$0x3FC6] =	sst s2  }
0x8f: {  	_ = 	snop  }
0x90: {  	s2 =	sld [smem:$0x3FC9]  }
0x91: {  	s18 =	sld [smem:$0x3FC8];
	(tm) =	ssettm $0x1  }
0x92: {  	s4 =	sld [smem:$0x3FFB];
	_ =	sdelay $0x3  }
0x93: {  	_ =	strace s4  }
0x94: {  	s4 =	sld [smem:$0x3FFC];
	_ =	sdelay $0x3  }
0x95: {  	_ =	strace s4  }
0x96: {  	s4 =	sld [smem:$0x3FFD];
	_ =	sdelay $0x3  }
0x97: {  	_ =	strace s4  }
0x98: {  	_ =	strace $0x8FFFFFFF  }
0x99: {  	s19 =	sld [smem:$0x3FDB];
	_ =	sdelay $0x1  }
0x9a: {  	s5 =	simm.s32 $_scs_section_size  }
0x9b: {  	s6 =	simm.s32 $_size__tile_overlayer_lowered;
	s7 =	simm.s32 $_tile_overlayer_lowered  }
0x9c: {  	s22 =	simm.s32 $0x1BFF;
	s21 =	sshll.u32 s7, $0x1;
	s4 =	sadd.s32 s5, s19  }
0x9d: {  	s8 =	simm.s32 $0x0;
	s20 =	sshll.u32 s6, $0x1;
	s6 =	sadd.s32 s21, s4  }
0x9e: {  	[timem:s8], [sflag:s22] =	dma.local [hbm:s6], s20  }
0x9f: {  	_ =	swait.ge [sflag:s22], s20  }
0xa0: {  	s5 =	ssub.s32 $0x0, s20;
	[sflag:s22] =	ssyncset.done $0x0  }
0xa1: {  	[sflag:s22] =	ssyncadd.s32 s5;
	_ =	sdelay $0x1  }
0xa2: {  	s23 =	simm.s32 $0x1B8B  }
0xa3: {  	_ =	swait.ge [sflag:s23], $0x1  }
0xa4: {  	[sflag:s23] =	ssyncset.done $0x0  }
0xa5: {  	s25 =	simm.s32 $0x1B8E;
	s24 =	sld [smem:$0x3FFE];
	[sflag:s23] =	ssyncadd.s32 $0xFFFFFFFF  }
0xa6: {  	s26 =	simm.s32 $execute0_lowered;
	[smem:$0x3FD2] =	sst s25  }
0xa7: {  	s6 =	sshll.u32 s26, $0x1;
	_ =	strace $0x80000046;
	[dreg:$0x1] =	wrdreg $0xFFFFFFFF  }
0xa8: {  	s28 =	simm.s32 $_size_execute0_lowered;
	s4 =	sadd.s32 s4, s6;
	[dreg:$0x0] =	wrdreg $0x0  }
0xa9: {  	s6 =	sshll.u32 s28, $0x1;
	[dreg:$0x2] =	wrdreg s4  }
0xaa: {  	[dreg:$0x3] =	wrdreg s6  }
0xab: {  	[dreg:$0x4] =	wrdreg $0xC0  }
0xac: {  	_ =	task [dreg:s8], $0x5FFFF  }
0xad: {  	[dreg:$0x1] =	wrdreg $0xFFFFFFFF  }
0xae: {  	[dreg:$0x0] =	wrdreg $0x60  }
0xaf: {  	[dreg:$0x2] =	wrdreg s2  }
0xb0: {  	[dreg:$0x3] =	wrdreg s18  }
0xb1: {  	[dreg:$0x4] =	wrdreg s24  }
0xb2: {  	[dreg:$0x5] =	wrdreg $0x9  }
0xb3: {  	_ =	task.clear_ibuf [dreg:s8], $0x6FFFF;
	_ =	strace $0x90000046  }
0xb4: {  	s29 =	simm.s32 $0x9;
	_ =	strace $0x80000048  }
0xb5: {  	_ =	swait.ge [sflag:s29], $0x1  }
0xb6: {  	[sflag:s29] =	ssyncadd.s32 $0xFFFFFFFF  }
0xb7: {  	_ =	strace $0x90000048  }
0xb8: {  	_ =	sfence  }
0xb9: {  	s30 =	sld [smem:$0x0];
	_ =	sdelay $0x2  }
0xba: {  	s31 =	sshll.u32 s1, $0xD;
	s1 =	sshrl.u32 s1, $0x2  }
0xbb: {  	s3 =	sand.u32 $0x4000, s31;
	s1 =	sadd.s32 s1, s30  }
0xbc: {  	s0 =	sor.u32 s3, s0;
	s1 =	sshll.u32 s1, $0x11  }
0xbd: {  	s0 =	sor.u32 s1, s0  }
0xbe: {  	s0 =	sadd.s32 $0x8F2B, s0  }
0xbf: {  	[sflag:s0] =	ssyncadd.remote.s32 $0x1  }
0xc0: {  	_ =	sfence.sel $0xFFFF  }
0xc1: {  	[dreg:$0x0] =	wrdreg $0xFFFFFFFF;
	(pc) =	sbr.abs _section_cstart, $3  }
0xc2: {  	[dreg:$0x1] =	wrdreg $0xFFFFFFFF  }
0xc3: {  	_ =	task.clear_ibuf [dreg:s8], $0x2FFFF;
	_ =	strace $0x9FFFFFFF  }
0xc4: {  	(tm) =	ssettm $0x7FFFFFFF  }
0xc5: {  	_ =	shalt  }
tec
execute0_lowered:
.L_overlay_start_1:
0x0: {  	(tag) =	ssettag $0x1  }
0x1: {  	s1 =	rddreg [dreg:$0x0]  }
0x2: {  	s3 =	rddreg [dreg:$0x1]  }
0x3: {  	s5 =	rddreg [dreg:$0x2]  }
0x4: {  	s0 =	rddreg [dreg:$0x3]  }
0x5: {  	s6 =	srdreg.scid;
	s2 =	stileid.u32  }
0x6: {  	s4 =	simm.s32 $0x0;
	s13 =	simm.s32 $0x4000;
	s14 =	simm.s32 $0xC000  }
0x7: {  	s15 =	simm.s32 $0x1;
	s16 =	simm.s32 $0x10000;
	s17 =	simm.s32 $0x10400  }
0x8: {  	s18 =	simm.s32 $0x2;
	s19 =	simm.s32 $0x10800;
	s20 =	simm.s32 $0x3  }
0x9: {  	s21 =	simm.s32 $0x10880;
	s6 =	sand.u32 $0x1, s6;
	s7 =	sshll.u32 s2, $0x1  }
0xa: {  	s22 =	simm.s32 $0x0;
	[smem:$0x7FF] =	sst s4;
	s7 =	sor.u32 s6, s7  }
0xb: {  	s6 =	ssub.s32 $0x2, s6;
	_ =	strace $0x80000047;
	s8 =	sshll.u32 s7, $0x5  }
0xc: {  	s9 =	sshrl.u32 s6, $0x1;
	s12 =	sshll.u32 s7, $0x10;
	s10 =	sadd.s32 s8, s5  }
0xd: {  	v2 =	vlaneseq.u32;
	s11 =	ssub.s32 s6, s9;
	s5 =	sadd.s32 s1, s12;
	s6 =	sadd.s32 s3, s12  }
0xe: {  	v2 =	vmul.u32 $0x40, v2;
	s7 =	sor.u32 $0x1000, s12;
	s8 =	sadd.s32 $0x600, s10;
	s9 =	sadd.s32 $0x610, s10  }
0xf: {  	v0 =	vimm.f32 $0.0e+00;
	v1 =	vimm.f32 $1.000000000e+00;
	s10 =	smax.u32 s11, $0x1;
	s11 =	sor.u32 $0x800, s12;
	s12 =	simm.s32 $0x8000  }
.LBB2_1:
0x10: {  	[tilespmem:$0x10000] =	vst v0  }
0x11: {  	[tilespmem:$0x10400] =	vst v0  }
0x12: {  	[tilespmem:$0x10010] =	vst v0  }
0x13: {  	[tilespmem:$0x10410] =	vst v0  }
0x14: {  	[tilespmem:$0x10020] =	vst v0  }
0x15: {  	[tilespmem:$0x10420] =	vst v0  }
0x16: {  	[tilespmem:$0x10030] =	vst v0  }
0x17: {  	[tilespmem:$0x10430] =	vst v0  }
0x18: {  	[tilespmem:$0x10040] =	vst v0  }
0x19: {  	[tilespmem:$0x10440] =	vst v0  }
0x1a: {  	[tilespmem:$0x10050] =	vst v0  }
0x1b: {  	[tilespmem:$0x10450] =	vst v0  }
0x1c: {  	[tilespmem:$0x10060] =	vst v0  }
0x1d: {  	[tilespmem:$0x10460] =	vst v0  }
0x1e: {  	[tilespmem:$0x10070] =	vst v0  }
0x1f: {  	[tilespmem:$0x10470] =	vst v0  }
0x20: {  	[tilespmem:$0x10080] =	vst v0  }
0x21: {  	[tilespmem:$0x10480] =	vst v0  }
0x22: {  	[tilespmem:$0x10090] =	vst v0  }
0x23: {  	[tilespmem:$0x10490] =	vst v0  }
0x24: {  	[tilespmem:$0x100A0] =	vst v0  }
0x25: {  	[tilespmem:$0x104A0] =	vst v0  }
0x26: {  	[tilespmem:$0x100B0] =	vst v0  }
0x27: {  	[tilespmem:$0x104B0] =	vst v0  }
0x28: {  	[tilespmem:$0x100C0] =	vst v0  }
0x29: {  	[tilespmem:$0x104C0] =	vst v0  }
0x2a: {  	[tilespmem:$0x100D0] =	vst v0  }
0x2b: {  	[tilespmem:$0x104D0] =	vst v0  }
0x2c: {  	[tilespmem:$0x100E0] =	vst v0  }
0x2d: {  	[tilespmem:$0x104E0] =	vst v0  }
0x2e: {  	[tilespmem:$0x100F0] =	vst v0  }
0x2f: {  	[tilespmem:$0x104F0] =	vst v0  }
0x30: {  	[tilespmem:$0x10100] =	vst v0  }
0x31: {  	[tilespmem:$0x10500] =	vst v0  }
0x32: {  	[tilespmem:$0x10110] =	vst v0  }
0x33: {  	[tilespmem:$0x10510] =	vst v0  }
0x34: {  	[tilespmem:$0x10120] =	vst v0  }
0x35: {  	[tilespmem:$0x10520] =	vst v0  }
0x36: {  	[tilespmem:$0x10130] =	vst v0  }
0x37: {  	[tilespmem:$0x10530] =	vst v0  }
0x38: {  	[tilespmem:$0x10140] =	vst v0  }
0x39: {  	[tilespmem:$0x10540] =	vst v0  }
0x3a: {  	[tilespmem:$0x10150] =	vst v0  }
0x3b: {  	[tilespmem:$0x10550] =	vst v0  }
0x3c: {  	[tilespmem:$0x10160] =	vst v0  }
0x3d: {  	[tilespmem:$0x10560] =	vst v0  }
0x3e: {  	[tilespmem:$0x10170] =	vst v0  }
0x3f: {  	[tilespmem:$0x10570] =	vst v0  }
0x40: {  	[tilespmem:$0x10180] =	vst v0  }
0x41: {  	[tilespmem:$0x10580] =	vst v0  }
0x42: {  	[tilespmem:$0x10190] =	vst v0  }
0x43: {  	[tilespmem:$0x10590] =	vst v0  }
0x44: {  	[tilespmem:$0x101A0] =	vst v0  }
0x45: {  	[tilespmem:$0x105A0] =	vst v0  }
0x46: {  	[tilespmem:$0x101B0] =	vst v0  }
0x47: {  	[tilespmem:$0x105B0] =	vst v0  }
0x48: {  	[tilespmem:$0x101C0] =	vst v0  }
0x49: {  	[tilespmem:$0x105C0] =	vst v0  }
0x4a: {  	[tilespmem:$0x101D0] =	vst v0  }
0x4b: {  	[tilespmem:$0x105D0] =	vst v0  }
0x4c: {  	[tilespmem:$0x101E0] =	vst v0  }
0x4d: {  	[tilespmem:$0x105E0] =	vst v0  }
0x4e: {  	[tilespmem:$0x101F0] =	vst v0  }
0x4f: {  	[tilespmem:$0x105F0] =	vst v0  }
0x50: {  	[tilespmem:$0x10200] =	vst v0  }
0x51: {  	[tilespmem:$0x10600] =	vst v0  }
0x52: {  	[tilespmem:$0x10210] =	vst v0  }
0x53: {  	[tilespmem:$0x10610] =	vst v0  }
0x54: {  	[tilespmem:$0x10220] =	vst v0  }
0x55: {  	[tilespmem:$0x10620] =	vst v0  }
0x56: {  	[tilespmem:$0x10230] =	vst v0  }
0x57: {  	[tilespmem:$0x10630] =	vst v0  }
0x58: {  	[tilespmem:$0x10240] =	vst v0  }
0x59: {  	[tilespmem:$0x10640] =	vst v0  }
0x5a: {  	[tilespmem:$0x10250] =	vst v0  }
0x5b: {  	[tilespmem:$0x10650] =	vst v0  }
0x5c: {  	[tilespmem:$0x10260] =	vst v0  }
0x5d: {  	[tilespmem:$0x10660] =	vst v0  }
0x5e: {  	[tilespmem:$0x10270] =	vst v0  }
0x5f: {  	[tilespmem:$0x10670] =	vst v0  }
0x60: {  	[tilespmem:$0x10280] =	vst v0  }
0x61: {  	[tilespmem:$0x10680] =	vst v0  }
0x62: {  	[tilespmem:$0x10290] =	vst v0  }
0x63: {  	[tilespmem:$0x10690] =	vst v0  }
0x64: {  	[tilespmem:$0x102A0] =	vst v0  }
0x65: {  	[tilespmem:$0x106A0] =	vst v0  }
0x66: {  	[tilespmem:$0x102B0] =	vst v0  }
0x67: {  	[tilespmem:$0x106B0] =	vst v0  }
0x68: {  	[tilespmem:$0x102C0] =	vst v0  }
0x69: {  	[tilespmem:$0x106C0] =	vst v0  }
0x6a: {  	[tilespmem:$0x102D0] =	vst v0  }
0x6b: {  	[tilespmem:$0x106D0] =	vst v0  }
0x6c: {  	[tilespmem:$0x102E0] =	vst v0  }
0x6d: {  	[tilespmem:$0x106E0] =	vst v0  }
0x6e: {  	[tilespmem:$0x102F0] =	vst v0  }
0x6f: {  	[tilespmem:$0x106F0] =	vst v0  }
0x70: {  	[tilespmem:$0x10300] =	vst v0  }
0x71: {  	[tilespmem:$0x10700] =	vst v0  }
0x72: {  	[tilespmem:$0x10310] =	vst v0  }
0x73: {  	[tilespmem:$0x10710] =	vst v0  }
0x74: {  	[tilespmem:$0x10320] =	vst v0  }
0x75: {  	[tilespmem:$0x10720] =	vst v0  }
0x76: {  	[tilespmem:$0x10330] =	vst v0  }
0x77: {  	[tilespmem:$0x10730] =	vst v0  }
0x78: {  	[tilespmem:$0x10340] =	vst v0  }
0x79: {  	[tilespmem:$0x10740] =	vst v0  }
0x7a: {  	[tilespmem:$0x10350] =	vst v0  }
0x7b: {  	[tilespmem:$0x10750] =	vst v0  }
0x7c: {  	[tilespmem:$0x10360] =	vst v0  }
0x7d: {  	[tilespmem:$0x10760] =	vst v0  }
0x7e: {  	[tilespmem:$0x10370] =	vst v0  }
0x7f: {  	[tilespmem:$0x10770] =	vst v0  }
0x80: {  	[tilespmem:$0x10380] =	vst v0  }
0x81: {  	[tilespmem:$0x10780] =	vst v0  }
0x82: {  	[tilespmem:$0x10390] =	vst v0  }
0x83: {  	[tilespmem:$0x10790] =	vst v0  }
0x84: {  	[tilespmem:$0x103A0] =	vst v0  }
0x85: {  	[tilespmem:$0x107A0] =	vst v0  }
0x86: {  	[tilespmem:$0x103B0] =	vst v0  }
0x87: {  	[tilespmem:$0x107B0] =	vst v0  }
0x88: {  	[tilespmem:$0x103C0] =	vst v0  }
0x89: {  	[tilespmem:$0x107C0] =	vst v0  }
0x8a: {  	[tilespmem:$0x103D0] =	vst v0  }
0x8b: {  	[tilespmem:$0x107D0] =	vst v0  }
0x8c: {  	[tilespmem:$0x103E0] =	vst v0  }
0x8d: {  	[tilespmem:$0x107E0] =	vst v0  }
0x8e: {  	[tilespmem:$0x103F0] =	vst v0  }
0x8f: {  	[tilespmem:$0x107F0] =	vst v0  }
0x90: {  	[tilespmem:s4], [sflag:$0x1] =	stream.linear.gather [hbm4b:s5+s4], $0x4000, $0x38;
	[tilespmem:$0x10900] =	vst v63  }
0x91: {  	s23 =	simm.s32 $0x0  }
0x92: {  	[tilespmem:s12], [sflag:$0x1] =	stream.linear.gather [hbm4b:s6+s4], $0x4000, $0x38;
	[tilespmem:$0x10900] =	vst v63  }
.LBB2_2:
0x93: {  	s24 =	sshll.u32 s23, $0xC  }
0x94: {  	s26 =	sor.u32 s11, s24  }
0x95: {  	s25 =	simm.s32 $0x0;
	s28 =	sadd.s32 s1, s26  }
0x96: {  	[tilespmem:s13], [sflag:$0x2] =	stream.linear.gather [hbm4b:s28+s25], $0x4000, $0x38;
	[tilespmem:$0x10900] =	vst v63  }
0x97: {  	s26 =	sadd.s32 s3, s26  }
0x98: {  	[tilespmem:s14], [sflag:$0x2] =	stream.linear.gather [hbm4b:s26+s25], $0x4000, $0x38;
	[tilespmem:$0x10900] =	vst v63  }
0x99: {  	_ =	swait.ge [sflag:s15], $0x4000  }
0x9a: {  	[sflag:s15] =	ssyncset.done $0x0  }
0x9b: {  	s26 =	simm.s32 $0x0;
	[sflag:s15] =	ssyncadd.s32 $0xFFFFC000  }
0x9c: {  	s29 =	sand.u32 $0x1C00, s25;
	s28 =	sand.u32 $0x2000, s26;
	_ =	swait.ge [sflag:s15], $0x4000  }
0x9d: {  	s31 =	sand.u32 $0x380, s25;
	s28 =	sor.u32 s28, s29;
	[sflag:s15] =	ssyncset.done $0x0  }
0x9e: {  	s28 =	sor.u32 s31, s28;
	[sflag:s15] =	ssyncadd.s32 $0xFFFFC000  }
0x9f: {  	v5 =	vld [tilespmem:s28+$0x8000]  }
0xa0: {  	v7 =	vld [tilespmem:s28+$0x0]  }
0xa1: {  	v9 =	vld [tilespmem:s28+$0x8010]  }
0xa2: {  	v10 =	vld [tilespmem:s28+$0x8030]  }
0xa3: {  	v11 =	vld [tilespmem:s28+$0x30]  }
0xa4: {  	v12 =	vld [tilespmem:s28+$0x70]  }
0xa5: {  	v13 =	vld [tilespmem:s28+$0x8070];
	_ =	sdelay $0x1  }
0xa6: {  	v6 =	vld [tilespmem:s28+$0x10]  }
0xa7: {  	v4 =	vld [tilespmem:s28+$0x8020];
	v3 =	vadd.f32 $1.000000000e+00, v5;
	v14 =	vadd.f32 $1.000000000e+00, v9  }
0xa8: {  	v15 =	vsub.f32 v7, v5;
	v16 =	vadd.f32 $1.000000000e+00, v10  }
0xa9: {  	v10 =	vsub.f32 v11, v10;
	v7 =	vld [tilespmem:s28+$0x8060];
	v18 =	vsub.f32 v12, v13;
	v3 =	vshrl.u32 v3, $0x11  }
0xaa: {  	v21 =	vadd.f32 $1.000000000e+00, v13;
	v14 =	vshrl.u32 v14, $0x11;
	v8 =	vand.u32 $0x3F, v3;
	v3 =	vld [tilespmem:s28+$0x8050]  }
0xab: {  	v13 =	vld [tilespmem:s28+$0x8040];
	v11 =	vmul.f32 v15, v15;
	v15 =	vsub.f32 v6, v9;
	v8 =	vor.u32 v2, v8  }
0xac: {  	v5 =	vadd.f32 $1.000000000e+00, v4;
	v6 =	vld [tilespmem:s28+$0x20];
	v19 =	vand.u32 $0x3F, v14  }
0xad: {  	v16 =	vshrl.u32 v16, $0x11;
	v9 =	vld [tilespmem:s28+$0x60];
	v15 =	vmul.f32 v15, v15;
	v12 =	vor.u32 v2, v19  }
0xae: {  	v14 =	vmul.f32 v10, v10;
	v20 =	vand.u32 $0x3F, v16;
	v17 =	vmul.f32 v11, v11;
	v11 =	vld [tilespmem:s28+$0x50]  }
0xaf: {  	v10 =	vld [tilespmem:s28+$0x40];
	s28 =	simm.s32 $0x0;
	v19 =	vadd.f32 $1.000000000e+00, v7;
	v15 =	vmul.f32 v15, v15;
	v16 =	vadd.f32 $1.000000000e+00, v3  }
.LBB2_3:
0xb0: {  	s26 =	sadd.s32 $0x80, s26;
	[tilespmem:v8+s16+$0x0] =	vst.idx.add.f32.msk $0xffff, v17;
	v17 =	vor.u32 v2, v20;
	v18 =	vmul.f32 v18, v18;
	v20 =	vshrl.u32 v21, $0x11;
	s25 =	sadd.s32 $0x10, s25;
	s28 =	sadd.s32 $0x400, s28  }
0xb1: {  	s29 =	sand.u32 $0x2000, s26;
	s30 =	sand.u32 $0x1C00, s28;
	p0 =	slt.u32 s26, $0x3F80;
	[tilespmem:v8+s17+$0x0] =	vst.idx.add.f32.msk $0xffff, v1;
	v8 =	vmul.f32 v14, v14;
	v14 =	vshrl.u32 v19, $0x11;
	v19 =	vand.u32 $0x3F, v20  }
0xb2: {  	s29 =	sor.u32 s29, s30;
	s30 =	sand.u32 $0x380, s25;
	[tilespmem:v12+s16+$0x0] =	vst.idx.add.f32.msk $0xffff, v15;
	v15 =	vshrl.u32 v16, $0x11;
	v14 =	vand.u32 $0x3F, v14;
	v16 =	vor.u32 v2, v19  }
0xb3: {  	v4 =	vsub.f32 v6, v4;
	s29 =	sor.u32 s30, s29;
	[tilespmem:v12+s17+$0x0] =	vst.idx.add.f32.msk $0xffff, v1;
	v3 =	vsub.f32 v11, v3;
	v6 =	vand.u32 $0x3F, v15  }
0xb4: {  	v5 =	vshrl.u32 v5, $0x11;
	v11 =	vld [tilespmem:s29+$0x70];
	v10 =	vsub.f32 v10, v13;
	v12 =	vadd.f32 $1.000000000e+00, v13  }
0xb5: {  	v7 =	vsub.f32 v9, v7;
	v4 =	vmul.f32 v4, v4;
	v9 =	vmul.f32 v18, v18;
	v13 =	vld [tilespmem:s29+$0x10]  }
0xb6: {  	v5 =	vand.u32 $0x3F, v5;
	v18 =	vmul.f32 v3, v3;
	v15 =	vld [tilespmem:s29+$0x8000];
	v12 =	vshrl.u32 v12, $0x11  }
0xb7: {  	v19 =	vmul.f32 v4, v4;
	[tilespmem:v17+s16+$0x0] =	vst.idx.add.f32.msk $0xffff, v8;
	v3 =	vand.u32 $0x3F, v12;
	v12 =	vor.u32 v2, v14  }
0xb8: {  	v4 =	vmul.f32 v7, v7;
	v14 =	vld [tilespmem:s29+$0x0]  }
0xb9: {  	[tilespmem:v16+s16+$0x0] =	vst.idx.add.f32.msk $0xffff, v9  }
0xba: {  	v4 =	vmul.f32 v4, v4;
	v7 =	vor.u32 v2, v3;
	[tilespmem:v17+s17+$0x0] =	vst.idx.add.f32.msk $0xffff, v1  }
0xbb: {  	v8 =	vmul.f32 v10, v10;
	v3 =	vld [tilespmem:s29+$0x8050]  }
0xbc: {  	[tilespmem:v12+s16+$0x0] =	vst.idx.add.f32.msk $0xffff, v4  }
0xbd: {  	v6 =	vor.u32 v2, v6;
	v4 =	vmul.f32 v8, v8;
	v9 =	vld [tilespmem:s29+$0x8010]  }
0xbe: {  	[tilespmem:v16+s17+$0x0] =	vst.idx.add.f32.msk $0xffff, v1  }
0xbf: {  	v16 =	vld [tilespmem:s29+$0x8070]  }
0xc0: {  	[tilespmem:v7+s16+$0x0] =	vst.idx.add.f32.msk $0xffff, v4;
	v4 =	vmul.f32 v18, v18  }
0xc1: {  	v8 =	vadd.f32 $1.000000000e+00, v15;
	v10 =	vld [tilespmem:s29+$0x8030]  }
0xc2: {  	v18 =	vor.u32 v2, v5;
	v17 =	vld [tilespmem:s29+$0x30]  }
0xc3: {  	v5 =	vshrl.u32 v8, $0x11;
	[tilespmem:v6+s16+$0x0] =	vst.idx.add.f32.msk $0xffff, v4  }
0xc4: {  	v5 =	vand.u32 $0x3F, v5;
	v4 =	vld [tilespmem:s29+$0x8020]  }
0xc5: {  	v8 =	vor.u32 v2, v5;
	[tilespmem:v6+s17+$0x0] =	vst.idx.add.f32.msk $0xffff, v1  }
0xc6: {  	v5 =	vadd.f32 $1.000000000e+00, v9;
	[tilespmem:v7+s17+$0x0] =	vst.idx.add.f32.msk $0xffff, v1  }
0xc7: {  	v20 =	vadd.f32 $1.000000000e+00, v10;
	[tilespmem:v18+s16+$0x0] =	vst.idx.add.f32.msk $0xffff, v19  }
0xc8: {  	v6 =	vsub.f32 v14, v15;
	[tilespmem:v12+s17+$0x0] =	vst.idx.add.f32.msk $0xffff, v1  }
0xc9: {  	v7 =	vshrl.u32 v5, $0x11;
	v10 =	vsub.f32 v17, v10;
	v5 =	vadd.f32 $1.000000000e+00, v4;
	[tilespmem:v18+s17+$0x0] =	vst.idx.add.f32.msk $0xffff, v1  }
0xca: {  	v15 =	vand.u32 $0x3F, v7;
	v12 =	vmul.f32 v6, v6;
	v7 =	vld [tilespmem:s29+$0x8060]  }
.Ltmp0:
0xcb: {  	v13 =	vsub.f32 v13, v9;
	v19 =	vshrl.u32 v20, $0x11;
	v14 =	vmul.f32 v10, v10;
	v6 =	vld [tilespmem:s29+$0x20];
	(pc) =	sbr.rel @p0 .LBB2_3-.Ltmp0, $4  }
0xcc: {  	v18 =	vsub.f32 v11, v16;
	v17 =	vmul.f32 v12, v12;
	v9 =	vld [tilespmem:s29+$0x60]  }
0xcd: {  	v13 =	vmul.f32 v13, v13;
	v12 =	vor.u32 v2, v15;
	v10 =	vld [tilespmem:s29+$0x40]  }
0xce: {  	v21 =	vadd.f32 $1.000000000e+00, v16;
	v20 =	vand.u32 $0x3F, v19;
	v11 =	vld [tilespmem:s29+$0x50]  }
0xcf: {  	v16 =	vadd.f32 $1.000000000e+00, v3;
	v15 =	vmul.f32 v13, v13;
	v13 =	vld [tilespmem:s29+$0x8040];
	v19 =	vadd.f32 $1.000000000e+00, v7  }
0xd0: {  	_ =	sdelay $0x3  }
0xd1: {  	v21 =	vshrl.u32 v21, $0x11;
	v20 =	vor.u32 v2, v20;
	[tilespmem:v8+s16+$0x0] =	vst.idx.add.f32.msk $0xffff, v17  }
0xd2: {  	v17 =	vmul.f32 v18, v18;
	v21 =	vand.u32 $0x3F, v21;
	[tilespmem:v8+s17+$0x0] =	vst.idx.add.f32.msk $0xffff, v1;
	v8 =	vmul.f32 v14, v14  }
0xd3: {  	v14 =	vshrl.u32 v19, $0x11;
	v7 =	vsub.f32 v9, v7;
	v18 =	vor.u32 v2, v21  }
0xd4: {  	[tilespmem:v12+s16+$0x0] =	vst.idx.add.f32.msk $0xffff, v15;
	v15 =	vshrl.u32 v16, $0x11;
	v14 =	vand.u32 $0x3F, v14  }
0xd5: {  	[tilespmem:v12+s17+$0x0] =	vst.idx.add.f32.msk $0xffff, v1;
	v14 =	vor.u32 v2, v14;
	v7 =	vmul.f32 v7, v7;
	v19 =	vadd.f32 $1.000000000e+00, v13  }
0xd6: {  	v9 =	vmul.f32 v17, v17;
	v3 =	vsub.f32 v11, v3;
	v10 =	vsub.f32 v10, v13  }
0xd7: {  	v11 =	vand.u32 $0x3F, v15;
	[tilespmem:v20+s16+$0x0] =	vst.idx.add.f32.msk $0xffff, v8;
	v7 =	vmul.f32 v7, v7;
	v12 =	vshrl.u32 v19, $0x11  }
0xd8: {  	v8 =	vand.u32 $0x3F, v12;
	[tilespmem:v18+s16+$0x0] =	vst.idx.add.f32.msk $0xffff, v9;
	v9 =	vmul.f32 v10, v10;
	v10 =	vor.u32 v2, v11  }
0xd9: {  	v3 =	vmul.f32 v3, v3;
	[tilespmem:v20+s17+$0x0] =	vst.idx.add.f32.msk $0xffff, v1;
	v8 =	vor.u32 v2, v8  }
0xda: {  	v5 =	vshrl.u32 v5, $0x11;
	[tilespmem:v14+s16+$0x0] =	vst.idx.add.f32.msk $0xffff, v7  }
0xdb: {  	v4 =	vsub.f32 v6, v4;
	v5 =	vand.u32 $0x3F, v5;
	v3 =	vmul.f32 v3, v3;
	[tilespmem:v18+s17+$0x0] =	vst.idx.add.f32.msk $0xffff, v1  }
0xdc: {  	v5 =	vor.u32 v2, v5;
	v6 =	vmul.f32 v9, v9;
	[tilespmem:v14+s17+$0x0] =	vst.idx.add.f32.msk $0xffff, v1  }
0xdd: {  	v4 =	vmul.f32 v4, v4;
	[tilespmem:v10+s16+$0x0] =	vst.idx.add.f32.msk $0xffff, v3  }
0xde: {  	[tilespmem:v8+s16+$0x0] =	vst.idx.add.f32.msk $0xffff, v6  }
0xdf: {  	v3 =	vmul.f32 v4, v4;
	[tilespmem:v10+s17+$0x0] =	vst.idx.add.f32.msk $0xffff, v1  }
0xe0: {  	p0 =	seq.s32 s23, $0xF;
	[tilespmem:v8+s17+$0x0] =	vst.idx.add.f32.msk $0xffff, v1  }
0xe1: {  	s24 =	sadd.s32 @!p0 s24, s7;
	[tilespmem:v5+s16+$0x0] =	vst.idx.add.f32.msk $0xffff, v3  }
0xe2: {  	s26 =	simm.s32 @!p0 $0x0;
	s25 =	sadd.s32 @!p0 s1, s24;
	[tilespmem:v5+s17+$0x0] =	vst.idx.add.f32.msk $0xffff, v1  }
0xe3: {  	[tilespmem:s26], [sflag:$0x1] =	stream.linear.gather @!p0 [hbm4b:s25+s26], $0x4000, $0x38;
	[tilespmem:$0x10900] =	vst v63  }
0xe4: {  	s24 =	sadd.s32 @!p0 s3, s24;
	s25 =	simm.s32 @!p0 $0x8000  }
0xe5: {  	[tilespmem:s25], [sflag:$0x1] =	stream.linear.gather @!p0 [hbm4b:s24+s26], $0x4000, $0x38;
	[tilespmem:$0x10900] =	vst v63  }
0xe6: {  	_ =	swait.ge [sflag:s18], $0x4000  }
0xe7: {  	[sflag:s18] =	ssyncset.done $0x0  }
0xe8: {  	s24 =	simm.s32 $0x0;
	s25 =	simm.s32 $0x0;
	[sflag:s18] =	ssyncadd.s32 $0xFFFFC000  }
0xe9: {  	s30 =	sand.u32 $0x2000, s25;
	s28 =	sand.u32 $0x1C00, s24;
	_ =	swait.ge [sflag:s18], $0x4000  }
0xea: {  	s31 =	sand.u32 $0x380, s24;
	s26 =	sor.u32 s30, s28;
	[sflag:s18] =	ssyncset.done $0x0  }
0xeb: {  	s26 =	sor.u32 s31, s26;
	[sflag:s18] =	ssyncadd.s32 $0xFFFFC000  }
0xec: {  	v5 =	vld [tilespmem:s26+$0xC000]  }
0xed: {  	v7 =	vld [tilespmem:s26+$0x4000]  }
0xee: {  	v9 =	vld [tilespmem:s26+$0xC010]  }
0xef: {  	v10 =	vld [tilespmem:s26+$0xC030]  }
0xf0: {  	v11 =	vld [tilespmem:s26+$0x4030]  }
0xf1: {  	v12 =	vld [tilespmem:s26+$0x4070]  }
0xf2: {  	v13 =	vld [tilespmem:s26+$0xC070];
	_ =	sdelay $0x1  }
0xf3: {  	v6 =	vld [tilespmem:s26+$0x4010]  }
0xf4: {  	v4 =	vld [tilespmem:s26+$0xC020];
	v3 =	vadd.f32 $1.000000000e+00, v5;
	v14 =	vadd.f32 $1.000000000e+00, v9  }
0xf5: {  	v15 =	vsub.f32 v7, v5;
	v16 =	vadd.f32 $1.000000000e+00, v10  }
0xf6: {  	v10 =	vsub.f32 v11, v10;
	v7 =	vld [tilespmem:s26+$0xC060];
	v18 =	vsub.f32 v12, v13;
	v3 =	vshrl.u32 v3, $0x11  }
0xf7: {  	v21 =	vadd.f32 $1.000000000e+00, v13;
	v14 =	vshrl.u32 v14, $0x11;
	v8 =	vand.u32 $0x3F, v3;
	v3 =	vld [tilespmem:s26+$0xC050]  }
0xf8: {  	v13 =	vld [tilespmem:s26+$0xC040];
	v11 =	vmul.f32 v15, v15;
	v15 =	vsub.f32 v6, v9;
	v8 =	vor.u32 v2, v8  }
0xf9: {  	v5 =	vadd.f32 $1.000000000e+00, v4;
	v6 =	vld [tilespmem:s26+$0x4020];
	v19 =	vand.u32 $0x3F, v14  }
0xfa: {  	v16 =	vshrl.u32 v16, $0x11;
	v9 =	vld [tilespmem:s26+$0x4060];
	v15 =	vmul.f32 v15, v15;
	v12 =	vor.u32 v2, v19  }
0xfb: {  	v14 =	vmul.f32 v10, v10;
	v20 =	vand.u32 $0x3F, v16;
	v17 =	vmul.f32 v11, v11;
	v11 =	vld [tilespmem:s26+$0x4050]  }
0xfc: {  	v10 =	vld [tilespmem:s26+$0x4040];
	s26 =	simm.s32 $0x0;
	v19 =	vadd.f32 $1.000000000e+00, v7;
	v15 =	vmul.f32 v15, v15;
	v16 =	vadd.f32 $1.000000000e+00, v3  }
.LBB2_5:
0xfd: {  	s25 =	sadd.s32 $0x80, s25;
	[tilespmem:v8+s16+$0x0] =	vst.idx.add.f32.msk $0xffff, v17;
	v17 =	vor.u32 v2, v20;
	v18 =	vmul.f32 v18, v18;
	v20 =	vshrl.u32 v21, $0x11;
	s24 =	sadd.s32 $0x10, s24;
	s26 =	sadd.s32 $0x400, s26  }
0xfe: {  	s28 =	sand.u32 $0x2000, s25;
	s29 =	sand.u32 $0x1C00, s26;
	p0 =	slt.u32 s25, $0x3F80;
	[tilespmem:v8+s17+$0x0] =	vst.idx.add.f32.msk $0xffff, v1;
	v8 =	vmul.f32 v14, v14;
	v14 =	vshrl.u32 v19, $0x11;
	v19 =	vand.u32 $0x3F, v20  }
0xff: {  	s28 =	sor.u32 s28, s29;
	s29 =	sand.u32 $0x380, s24;
	[tilespmem:v12+s16+$0x0] =	vst.idx.add.f32.msk $0xffff, v15;
	v15 =	vshrl.u32 v16, $0x11;
	v14 =	vand.u32 $0x3F, v14;
	v16 =	vor.u32 v2, v19  }
0x100: {  	v4 =	vsub.f32 v6, v4;
	s28 =	sor.u32 s29, s28;
	[tilespmem:v12+s17+$0x0] =	vst.idx.add.f32.msk $0xffff, v1;
	v3 =	vsub.f32 v11, v3;
	v6 =	vand.u32 $0x3F, v15  }
0x101: {  	v5 =	vshrl.u32 v5, $0x11;
	v11 =	vld [tilespmem:s28+$0x4070];
	v10 =	vsub.f32 v10, v13;
	v12 =	vadd.f32 $1.000000000e+00, v13  }
0x102: {  	v7 =	vsub.f32 v9, v7;
	v4 =	vmul.f32 v4, v4;
	v9 =	vmul.f32 v18, v18;
	v13 =	vld [tilespmem:s28+$0x4010]  }
0x103: {  	v5 =	vand.u32 $0x3F, v5;
	v18 =	vmul.f32 v3, v3;
	v15 =	vld [tilespmem:s28+$0xC000];
	v12 =	vshrl.u32 v12, $0x11  }
0x104: {  	v19 =	vmul.f32 v4, v4;
	[tilespmem:v17+s16+$0x0] =	vst.idx.add.f32.msk $0xffff, v8;
	v3 =	vand.u32 $0x3F, v12;
	v12 =	vor.u32 v2, v14  }
0x105: {  	v4 =	vmul.f32 v7, v7;
	v14 =	vld [tilespmem:s28+$0x4000]  }
0x106: {  	[tilespmem:v16+s16+$0x0] =	vst.idx.add.f32.msk $0xffff, v9  }
0x107: {  	v4 =	vmul.f32 v4, v4;
	v7 =	vor.u32 v2, v3;
	[tilespmem:v17+s17+$0x0] =	vst.idx.add.f32.msk $0xffff, v1  }
0x108: {  	v8 =	vmul.f32 v10, v10;
	v3 =	vld [tilespmem:s28+$0xC050]  }
0x109: {  	[tilespmem:v12+s16+$0x0] =	vst.idx.add.f32.msk $0xffff, v4  }
0x10a: {  	v6 =	vor.u32 v2, v6;
	v4 =	vmul.f32 v8, v8;
	v9 =	vld [tilespmem:s28+$0xC010]  }
0x10b: {  	[tilespmem:v16+s17+$0x0] =	vst.idx.add.f32.msk $0xffff, v1  }
0x10c: {  	v16 =	vld [tilespmem:s28+$0xC070]  }
0x10d: {  	[tilespmem:v7+s16+$0x0] =	vst.idx.add.f32.msk $0xffff, v4;
	v4 =	vmul.f32 v18, v18  }
0x10e: {  	v8 =	vadd.f32 $1.000000000e+00, v15;
	v10 =	vld [tilespmem:s28+$0xC030]  }
0x10f: {  	v18 =	vor.u32 v2, v5;
	v17 =	vld [tilespmem:s28+$0x4030]  }
0x110: {  	v5 =	vshrl.u32 v8, $0x11;
	[tilespmem:v6+s16+$0x0] =	vst.idx.add.f32.msk $0xffff, v4  }
0x111: {  	v5 =	vand.u32 $0x3F, v5;
	v4 =	vld [tilespmem:s28+$0xC020]  }
0x112: {  	v8 =	vor.u32 v2, v5;
	[tilespmem:v6+s17+$0x0] =	vst.idx.add.f32.msk $0xffff, v1  }
0x113: {  	v5 =	vadd.f32 $1.000000000e+00, v9;
	[tilespmem:v7+s17+$0x0] =	vst.idx.add.f32.msk $0xffff, v1  }
0x114: {  	v20 =	vadd.f32 $1.000000000e+00, v10;
	[tilespmem:v18+s16+$0x0] =	vst.idx.add.f32.msk $0xffff, v19  }
0x115: {  	v6 =	vsub.f32 v14, v15;
	[tilespmem:v12+s17+$0x0] =	vst.idx.add.f32.msk $0xffff, v1  }
0x116: {  	v7 =	vshrl.u32 v5, $0x11;
	v10 =	vsub.f32 v17, v10;
	v5 =	vadd.f32 $1.000000000e+00, v4;
	[tilespmem:v18+s17+$0x0] =	vst.idx.add.f32.msk $0xffff, v1  }
0x117: {  	v15 =	vand.u32 $0x3F, v7;
	v12 =	vmul.f32 v6, v6;
	v7 =	vld [tilespmem:s28+$0xC060]  }
.Ltmp1:
0x118: {  	v13 =	vsub.f32 v13, v9;
	v19 =	vshrl.u32 v20, $0x11;
	v14 =	vmul.f32 v10, v10;
	v6 =	vld [tilespmem:s28+$0x4020];
	(pc) =	sbr.rel @p0 .LBB2_5-.Ltmp1, $4  }
0x119: {  	v18 =	vsub.f32 v11, v16;
	v17 =	vmul.f32 v12, v12;
	v9 =	vld [tilespmem:s28+$0x4060]  }
0x11a: {  	v13 =	vmul.f32 v13, v13;
	v12 =	vor.u32 v2, v15;
	v10 =	vld [tilespmem:s28+$0x4040]  }
0x11b: {  	v21 =	vadd.f32 $1.000000000e+00, v16;
	v20 =	vand.u32 $0x3F, v19;
	v11 =	vld [tilespmem:s28+$0x4050]  }
0x11c: {  	v16 =	vadd.f32 $1.000000000e+00, v3;
	v15 =	vmul.f32 v13, v13;
	v13 =	vld [tilespmem:s28+$0xC040];
	v19 =	vadd.f32 $1.000000000e+00, v7  }
0x11d: {  	_ =	sdelay $0x2  }
0x11e: {  	v21 =	vshrl.u32 v21, $0x11;
	v20 =	vor.u32 v2, v20  }
0x11f: {  	[tilespmem:v8+s16+$0x0] =	vst.idx.add.f32.msk $0xffff, v17;
	v53 =	vmul.f32 v14, v14;
	v21 =	vand.u32 $0x3F, v21;
	v54 =	vshrl.u32 v19, $0x11  }
0x120: {  	[tilespmem:v8+s17+$0x0] =	vst.idx.add.f32.msk $0xffff, v1;
	v7 =	vsub.f32 v9, v7;
	v52 =	vor.u32 v2, v21;
	v14 =	vand.u32 $0x3F, v54  }
0x121: {  	v51 =	vmul.f32 v18, v18;
	[tilespmem:v12+s16+$0x0] =	vst.idx.add.f32.msk $0xffff, v15;
	v56 =	vshrl.u32 v16, $0x11;
	v14 =	vor.u32 v2, v14  }
0x122: {  	[tilespmem:v12+s17+$0x0] =	vst.idx.add.f32.msk $0xffff, v1;
	v60 =	vand.u32 $0x3F, v56;
	v7 =	vmul.f32 v7, v7;
	v3 =	vsub.f32 v11, v3  }
0x123: {  	v5 =	vshrl.u32 v5, $0x11;
	v57 =	vmul.f32 v51, v51;
	v62 =	vor.u32 v2, v60;
	[tilespmem:v20+s16+$0x0] =	vst.idx.add.f32.msk $0xffff, v53  }
0x124: {  	v55 =	vadd.f32 $1.000000000e+00, v13;
	v7 =	vmul.f32 v7, v7;
	v3 =	vmul.f32 v3, v3;
	[tilespmem:v20+s17+$0x0] =	vst.idx.add.f32.msk $0xffff, v1  }
0x125: {  	v4 =	vsub.f32 v6, v4;
	v5 =	vand.u32 $0x3F, v5;
	[tilespmem:v52+s16+$0x0] =	vst.idx.add.f32.msk $0xffff, v57  }
0x126: {  	v5 =	vor.u32 v2, v5;
	v58 =	vshrl.u32 v55, $0x11;
	v3 =	vmul.f32 v3, v3;
	[tilespmem:v14+s16+$0x0] =	vst.idx.add.f32.msk $0xffff, v7  }
0x127: {  	v4 =	vmul.f32 v4, v4;
	v10 =	vsub.f32 v10, v13;
	v59 =	vand.u32 $0x3F, v58;
	[tilespmem:v52+s17+$0x0] =	vst.idx.add.f32.msk $0xffff, v1  }
0x128: {  	s23 =	sadd.s32 $0x1, s23;
	v8 =	vor.u32 v2, v59;
	[tilespmem:v62+s16+$0x0] =	vst.idx.add.f32.msk $0xffff, v3  }
0x129: {  	p0 =	sne.s32 s23, $0x10;
	v61 =	vmul.f32 v10, v10;
	v3 =	vmul.f32 v4, v4;
	[tilespmem:v14+s17+$0x0] =	vst.idx.add.f32.msk $0xffff, v1  }
.Ltmp2:
0x12a: {  	[tilespmem:v62+s17+$0x0] =	vst.idx.add.f32.msk $0xffff, v1;
	(pc) =	sbr.rel @p0 .LBB2_2-.Ltmp2, $4  }
0x12b: {  	v63 =	vmul.f32 v61, v61;
	[tilespmem:v5+s16+$0x0] =	vst.idx.add.f32.msk $0xffff, v3  }
0x12c: {  	[tilespmem:v5+s17+$0x0] =	vst.idx.add.f32.msk $0xffff, v1  }
0x12d: {  	[tilespmem:v8+s16+$0x0] =	vst.idx.add.f32.msk $0xffff, v63  }
0x12e: {  	[tilespmem:v8+s17+$0x0] =	vst.idx.add.f32.msk $0xffff, v1  }
0x12f: {  	v3 =	vld [tilespmem:$0x10000]  }
0x130: {  	v4 =	vld [tilespmem:$0x10400]  }
0x131: {  	v5 =	vld [tilespmem:$0x10040]  }
0x132: {  	v6 =	vld [tilespmem:$0x10440]  }
0x133: {  	v7 =	vld [tilespmem:$0x10080]  }
0x134: {  	v8 =	vld [tilespmem:$0x10480]  }
0x135: {  	v9 =	vld [tilespmem:$0x100C0]  }
0x136: {  	v10 =	vld [tilespmem:$0x104C0]  }
0x137: {  	v11 =	vld [tilespmem:$0x10100]  }
0x138: {  	v12 =	vld [tilespmem:$0x10500]  }
0x139: {  	v13 =	vld [tilespmem:$0x10140]  }
0x13a: {  	v14 =	vld [tilespmem:$0x10540]  }
0x13b: {  	v15 =	vld [tilespmem:$0x10180]  }
0x13c: {  	v16 =	vld [tilespmem:$0x10580]  }
0x13d: {  	v17 =	vld [tilespmem:$0x101C0]  }
0x13e: {  	v18 =	vld [tilespmem:$0x105C0]  }
0x13f: {  	v20 =	vld [tilespmem:$0x10200]  }
0x140: {  	v25 =	vld [tilespmem:$0x10600]  }
0x141: {  	v29 =	vld [tilespmem:$0x10240]  }
0x142: {  	v31 =	vld [tilespmem:$0x10640]  }
0x143: {  	v33 =	vld [tilespmem:$0x10280]  }
0x144: {  	v34 =	vld [tilespmem:$0x10680]  }
0x145: {  	v19 =	vld [tilespmem:$0x102C0]  }
0x146: {  	v43 =	vld [tilespmem:$0x106C0]  }
0x147: {  	v44 =	vld [tilespmem:$0x10300]  }
0x148: {  	v45 =	vld [tilespmem:$0x10700]  }
0x149: {  	v46 =	vld [tilespmem:$0x10340]  }
0x14a: {  	v47 =	vld [tilespmem:$0x10740]  }
0x14b: {  	v48 =	vld [tilespmem:$0x10380]  }
0x14c: {  	v49 =	vld [tilespmem:$0x10780]  }
0x14d: {  	v50 =	vld [tilespmem:$0x103C0]  }
0x14e: {  	v51 =	vld [tilespmem:$0x107C0]  }
0x14f: {  	v35 =	vld [tilespmem:$0x10010]  }
0x150: {  	v36 =	vld [tilespmem:$0x10410]  }
0x151: {  	v37 =	vld [tilespmem:$0x10050]  }
0x152: {  	v38 =	vld [tilespmem:$0x10450]  }
0x153: {  	v39 =	vld [tilespmem:$0x10090]  }
0x154: {  	v40 =	vld [tilespmem:$0x10490]  }
0x155: {  	v41 =	vld [tilespmem:$0x100D0]  }
0x156: {  	v42 =	vld [tilespmem:$0x104D0]  }
0x157: {  	v52 =	vld [tilespmem:$0x10610]  }
0x158: {  	v53 =	vld [tilespmem:$0x10250]  }
0x159: {  	v54 =	vld [tilespmem:$0x10650]  }
0x15a: {  	v55 =	vld [tilespmem:$0x10290]  }
0x15b: {  	v56 =	vld [tilespmem:$0x10690]  }
0x15c: {  	v57 =	vld [tilespmem:$0x102D0]  }
0x15d: {  	v58 =	vld [tilespmem:$0x106D0]  }
0x15e: {  	v59 =	vld [tilespmem:$0x10310]  }
0x15f: {  	v60 =	vld [tilespmem:$0x10710]  }
0x160: {  	v61 =	vld [tilespmem:$0x10350]  }
0x161: {  	v62 =	vld [tilespmem:$0x10750]  }
0x162: {  	v63 =	vld [tilespmem:$0x10390]  }
0x163: {  	v22 =	vld [tilespmem:$0x10790]  }
0x164: {  	v24 =	vld [tilespmem:$0x103D0]  }
0x165: {  	v28 =	vld [tilespmem:$0x107D0]  }
0x166: {  	v21 =	vld [tilespmem:$0x10020]  }
0x167: {  	v27 =	vld [tilespmem:$0x10420]  }
0x168: {  	v23 =	vld [tilespmem:$0x10460]  }
0x169: {  	v26 =	vld [tilespmem:$0x100A0]  }
0x16a: {  	v30 =	vld [tilespmem:$0x104A0]  }
0x16b: {  	v32 =	vld [tilespmem:$0x100E0]  }
0x16c: {  	[tilespmem:$0x1FF70] =	vst v43;
	v43 =	vld [tilespmem:$0x10110]  }
0x16d: {  	[tilespmem:$0x1FF80] =	vst v44;
	v44 =	vld [tilespmem:$0x10510]  }
0x16e: {  	[tilespmem:$0x1FF90] =	vst v45;
	v45 =	vld [tilespmem:$0x10150]  }
0x16f: {  	[tilespmem:$0x1FFA0] =	vst v46;
	v46 =	vld [tilespmem:$0x10550]  }
0x170: {  	[tilespmem:$0x1FFB0] =	vst v47;
	v47 =	vld [tilespmem:$0x10190]  }
0x171: {  	[tilespmem:$0x1FFC0] =	vst v48;
	v48 =	vld [tilespmem:$0x10590]  }
0x172: {  	[tilespmem:$0x1FFD0] =	vst v49;
	v49 =	vld [tilespmem:$0x101D0]  }
0x173: {  	[tilespmem:$0x1FFE0] =	vst v50;
	v50 =	vld [tilespmem:$0x105D0]  }
0x174: {  	[tilespmem:$0x1FFF0] =	vst v51;
	v51 =	vld [tilespmem:$0x10210]  }
0x175: {  	[tilespmem:$0x1FF60] =	vst v19;
	v19 =	vld [tilespmem:$0x10060]  }
0x176: {  	v3 =	vadd.f32 v5, v3;
	v5 =	vld [tilespmem:$0x104E0]  }
0x177: {  	v4 =	vadd.f32 v6, v4;
	v6 =	vld [tilespmem:$0x10120]  }
0x178: {  	v3 =	vadd.f32 v7, v3;
	v7 =	vadd.f32 v37, v35;
	v35 =	vld [tilespmem:$0x10520]  }
0x179: {  	v4 =	vadd.f32 v8, v4;
	v8 =	vadd.f32 v38, v36;
	v36 =	vld [tilespmem:$0x10160]  }
0x17a: {  	v37 =	vld [tilespmem:$0x10760]  }
0x17b: {  	v38 =	vld [tilespmem:$0x103A0]  }
0x17c: {  	v3 =	vadd.f32 v9, v3;
	v9 =	vld [tilespmem:$0x10560]  }
0x17d: {  	v4 =	vadd.f32 v10, v4;
	v10 =	vld [tilespmem:$0x101A0]  }
0x17e: {  	v7 =	vadd.f32 v39, v7;
	v39 =	vld [tilespmem:$0x107A0]  }
0x17f: {  	v8 =	vadd.f32 v40, v8;
	v40 =	vld [tilespmem:$0x103E0]  }
0x180: {  	v3 =	vadd.f32 v11, v3;
	v11 =	vld [tilespmem:$0x105A0]  }
0x181: {  	v4 =	vadd.f32 v12, v4;
	v12 =	vld [tilespmem:$0x101E0]  }
0x182: {  	v7 =	vadd.f32 v41, v7;
	v41 =	vld [tilespmem:$0x107E0]  }
0x183: {  	v19 =	vadd.f32 v19, v21;
	v3 =	vadd.f32 v13, v3;
	v13 =	vld [tilespmem:$0x105E0]  }
0x184: {  	v8 =	vadd.f32 v42, v8;
	v4 =	vadd.f32 v14, v4;
	v14 =	vld [tilespmem:$0x10220]  }
0x185: {  	v19 =	vadd.f32 v26, v19;
	v7 =	vadd.f32 v43, v7;
	v43 =	vld [tilespmem:$0x105F0]  }
0x186: {  	v8 =	vadd.f32 v44, v8;
	v44 =	vld [tilespmem:$0x10230]  }
0x187: {  	v19 =	vadd.f32 v32, v19;
	v32 =	vld [tilespmem:$0x105B0]  }
0x188: {  	v3 =	vadd.f32 v15, v3;
	v15 =	vld [tilespmem:$0x10620]  }
0x189: {  	v4 =	vadd.f32 v16, v4;
	v16 =	vld [tilespmem:$0x10260]  }
0x18a: {  	v7 =	vadd.f32 v45, v7;
	v45 =	vld [tilespmem:$0x10630]  }
0x18b: {  	v8 =	vadd.f32 v46, v8;
	v46 =	vld [tilespmem:$0x10270]  }
0x18c: {  	v23 =	vadd.f32 v23, v27;
	v3 =	vadd.f32 v17, v3;
	v17 =	vld [tilespmem:$0x10660]  }
0x18d: {  	v6 =	vadd.f32 v6, v19;
	v4 =	vadd.f32 v18, v4;
	v18 =	vld [tilespmem:$0x102A0]  }
0x18e: {  	v7 =	vadd.f32 v47, v7;
	v8 =	vadd.f32 v48, v8;
	v48 =	vld [tilespmem:$0x10070]  }
0x18f: {  	v23 =	vadd.f32 v30, v23;
	v47 =	vld [tilespmem:$0x10670]  }
0x190: {  	v6 =	vadd.f32 v36, v6;
	v36 =	vld [tilespmem:$0x101F0];
	v7 =	vadd.f32 v49, v7  }
0x191: {  	v3 =	vadd.f32 v20, v3;
	v20 =	vld [tilespmem:$0x106A0];
	v8 =	vadd.f32 v50, v8  }
0x192: {  	v50 =	vld [tilespmem:$0x10470];
	v7 =	vadd.f32 v51, v7  }
0x193: {  	v5 =	vadd.f32 v5, v23;
	v8 =	vadd.f32 v52, v8;
	v52 =	vld [tilespmem:$0x1FF60]  }
0x194: {  	v3 =	vadd.f32 v29, v3;
	v7 =	vadd.f32 v53, v7;
	v53 =	vld [tilespmem:$0x1FF70]  }
0x195: {  	v4 =	vadd.f32 v25, v4;
	v8 =	vadd.f32 v54, v8;
	v54 =	vld [tilespmem:$0x1FF80]  }
0x196: {  	v3 =	vadd.f32 v33, v3;
	v7 =	vadd.f32 v55, v7;
	v55 =	vld [tilespmem:$0x1FF90]  }
0x197: {  	v4 =	vadd.f32 v31, v4;
	v8 =	vadd.f32 v56, v8;
	v56 =	vld [tilespmem:$0x1FFA0]  }
0x198: {  	v5 =	vadd.f32 v35, v5;
	v3 =	vadd.f32 v52, v3;
	v52 =	vld [tilespmem:$0x100B0]  }
0x199: {  	v4 =	vadd.f32 v34, v4;
	v7 =	vadd.f32 v57, v7;
	v57 =	vld [tilespmem:$0x1FFB0]  }
0x19a: {  	v8 =	vadd.f32 v58, v8;
	v58 =	vld [tilespmem:$0x10030]  }
0x19b: {  	v5 =	vadd.f32 v9, v5;
	v4 =	vadd.f32 v53, v4;
	v53 =	vld [tilespmem:$0x104B0]  }
0x19c: {  	v3 =	vadd.f32 v54, v3;
	v8 =	vadd.f32 v60, v8;
	v60 =	vld [tilespmem:$0x10430]  }
0x19d: {  	v5 =	vadd.f32 v11, v5;
	v7 =	vadd.f32 v59, v7;
	v59 =	vld [tilespmem:$0x1FFC0]  }
0x19e: {  	v54 =	vld [tilespmem:$0x100F0];
	v4 =	vadd.f32 v55, v4;
	v3 =	vadd.f32 v56, v3  }
0x19f: {  	v7 =	vadd.f32 v61, v7;
	v61 =	vld [tilespmem:$0x1FFD0];
	v8 =	vadd.f32 v62, v8  }
0x1a0: {  	v56 =	vld [tilespmem:$0x104F0];
	v4 =	vadd.f32 v57, v4;
	v55 =	vadd.f32 v48, v58  }
0x1a1: {  	v58 =	vld [tilespmem:$0x10130];
	v8 =	vadd.f32 v22, v8;
	v57 =	vadd.f32 v50, v60  }
0x1a2: {  	v3 =	vadd.f32 v59, v3;
	v22 =	vadd.f32 v52, v55;
	v59 =	vld [tilespmem:$0x10530]  }
0x1a3: {  	v5 =	vadd.f32 v13, v5;
	v60 =	vld [tilespmem:$0x10170];
	v21 =	vadd.f32 v53, v57  }
0x1a4: {  	v62 =	vld [tilespmem:$0x10570];
	v4 =	vadd.f32 v61, v4;
	v61 =	vadd.f32 v54, v22  }
0x1a5: {  	v7 =	vadd.f32 v63, v7;
	v63 =	vld [tilespmem:$0x101B0];
	v21 =	vadd.f32 v56, v21  }
0x1a6: {  	v25 =	vld [tilespmem:$0x102E0];
	v6 =	vadd.f32 v10, v6;
	v19 =	vadd.f32 v58, v61  }
0x1a7: {  	v49 =	vld [tilespmem:$0x1FFE0];
	v5 =	vadd.f32 v15, v5;
	v35 =	vadd.f32 v59, v21  }
0x1a8: {  	v29 =	vld [tilespmem:$0x106E0];
	v6 =	vadd.f32 v12, v6;
	v42 =	vadd.f32 v60, v19  }
0x1a9: {  	v31 =	vld [tilespmem:$0x10320];
	v5 =	vadd.f32 v17, v5;
	v9 =	vadd.f32 v62, v35  }
0x1aa: {  	v51 =	vld [tilespmem:$0x1FFF0];
	v6 =	vadd.f32 v14, v6;
	v10 =	vadd.f32 v63, v42  }
0x1ab: {  	v33 =	vld [tilespmem:$0x10720];
	v5 =	vadd.f32 v20, v5;
	v9 =	vadd.f32 v32, v9  }
0x1ac: {  	v34 =	vld [tilespmem:$0x10360];
	v6 =	vadd.f32 v16, v6;
	v10 =	vadd.f32 v36, v10  }
0x1ad: {  	v5 =	vadd.f32 v29, v5;
	v48 =	vld [tilespmem:$0x102B0];
	v9 =	vadd.f32 v43, v9  }
0x1ae: {  	v3 =	vadd.f32 v49, v3;
	v49 =	vld [tilespmem:$0x106B0];
	v10 =	vadd.f32 v44, v10  }
0x1af: {  	v6 =	vadd.f32 v18, v6;
	v50 =	vld [tilespmem:$0x102F0];
	v9 =	vadd.f32 v45, v9  }
0x1b0: {  	v4 =	vadd.f32 v51, v4;
	v51 =	vld [tilespmem:$0x106F0];
	v10 =	vadd.f32 v46, v10  }
0x1b1: {  	v6 =	vadd.f32 v25, v6;
	v52 =	vld [tilespmem:$0x10330];
	v9 =	vadd.f32 v47, v9  }
0x1b2: {  	v5 =	vadd.f32 v33, v5;
	v53 =	vld [tilespmem:$0x10730];
	v10 =	vadd.f32 v48, v10  }
0x1b3: {  	v6 =	vadd.f32 v31, v6;
	v54 =	vld [tilespmem:$0x10370];
	v9 =	vadd.f32 v49, v9  }
0x1b4: {  	v5 =	vadd.f32 v37, v5;
	v55 =	vld [tilespmem:$0x10770];
	v10 =	vadd.f32 v50, v10  }
0x1b5: {  	v6 =	vadd.f32 v34, v6;
	v56 =	vld [tilespmem:$0x103B0];
	v9 =	vadd.f32 v51, v9  }
0x1b6: {  	v7 =	vadd.f32 v24, v7;
	v57 =	vld [tilespmem:$0x107B0];
	v10 =	vadd.f32 v52, v10  }
0x1b7: {  	v8 =	vadd.f32 v28, v8;
	v58 =	vld [tilespmem:$0x103F0];
	v9 =	vadd.f32 v53, v9  }
0x1b8: {  	[tilespmem:$0x10800] =	vst v3;
	v3 =	vadd.f32 v38, v6;
	v60 =	vld [tilespmem:$0x107F0];
	v59 =	vadd.f32 v54, v10  }
0x1b9: {  	[tilespmem:$0x10810] =	vst v7;
	v61 =	vadd.f32 v39, v5;
	v62 =	vadd.f32 v55, v9  }
0x1ba: {  	[tilespmem:$0x10890] =	vst v8;
	v3 =	vadd.f32 v40, v3;
	v6 =	vadd.f32 v56, v59  }
0x1bb: {  	[tilespmem:$0x10880] =	vst v4;
	v4 =	vadd.f32 v41, v61;
	v5 =	vadd.f32 v57, v62  }
0x1bc: {  	[tilespmem:$0x10820] =	vst v3;
	v3 =	vadd.f32 v58, v6  }
0x1bd: {  	[tilespmem:$0x108A0] =	vst v4;
	v63 =	vadd.f32 v60, v5  }
0x1be: {  	[tilespmem:$0x10830] =	vst v3  }
0x1bf: {  	[tilespmem:$0x108B0] =	vst v63  }
0x1c0: {  	[hbm4b:s8+s4] =	stream.linear.scatter [tilespmem:s19], [sflag:$0x3], $0x80, $0x38;
	[tilespmem:$0x10900] =	vst v63  }
0x1c1: {  	s22 =	sadd.s32 $0x1, s22;
	_ =	swait.ge [sflag:s20], $0x80  }
0x1c2: {  	p0 =	sne.s32 s22, s10;
	[sflag:s20] =	ssyncset.done $0x0  }
.Ltmp3:
0x1c3: {  	[sflag:s20] =	ssyncadd.s32 $0xFFFFFF80;
	(pc) =	sbr.rel @p0 .LBB2_1-.Ltmp3, $4  }
0x1c4: {  	[hbm4b:s9+s4] =	stream.linear.scatter [tilespmem:s21], [sflag:$0x3], $0x80, $0x38;
	[tilespmem:$0x10900] =	vst v63  }
0x1c5: {  	_ =	swait.ge [sflag:s20], $0x80  }
0x1c6: {  	[sflag:s20] =	ssyncset.done $0x0  }
0x1c7: {  	[sflag:s20] =	ssyncadd.s32 $0xFFFFFF80  }
0x1c8: {  	_ =	sfence.sel $0x180000  }
0x1c9: {  	[bflag:$0x0] =	sbarrier.arrive $0xFFFF  }
0x1ca: {  	p0 =	sne.s32 s2, $0x0;
	_ =	strace $0x90000047  }
0x1cb: {  	s0 =	sadd.s32 @!p0 $0x100000, s0;
	[bflag:$0x2] =	sbarrier.arrive $0xFFFF  }
0x1cc: {  	[sflag:s0] =	ssyncadd.tile.s32 @!p0 $0x1;
	_ =	shalt  }
.Lfunc_end2:
_tile_overlayer_lowered:
.L_overlay_start_2:
0x1cd: {  	(tag) =	ssettag $0x2  }
0x1ce: {  	s0 =	rddreg [dreg:$0x0];
	s2 =	stileid.u32  }
0x1cf: {  	s1 =	rddreg [dreg:$0x1];
	p0 =	sne.s32 s2, $0x0  }
0x1d0: {  	s3 =	rddreg [dreg:$0x2];
	[bflag:$0x3] =	sbarrier.arrive $0xFFFF;
	s2 =	simm.s32 @!p0 $0x1C03  }
0x1d1: {  	[timem:s3], [sflag:s2] =	dma.local @!p0 [hbm:s0], s1  }
0x1d2: {  	s0 =	simm.s32 @!p0 $0x3  }
0x1d3: {  	_ =	swait.ge @!p0 [sflag:s0], s1  }
0x1d4: {  	s1 =	ssub.s32 @!p0 $0x0, s1;
	[sflag:s0] =	ssyncset.done @!p0 $0x0  }
0x1d5: {  	[sflag:s0] =	ssyncadd.s32 @!p0 s1  }
0x1d6: {  	[bflag:$0x3] =	sbarrier.arrive $0xFFFF  }
0x1d7: {  	_ =	shalt  }

</sc_bundles>
